<compile_context>
chip_gen: v7x
topology: tpu7x:2x2x1
jax: 0.10.2.dev20260603
libtpu: 0.0.44.dev20260713+nightly
codegen_flags: <defaults>
</compile_context>

<pallas_src>
import functools

import jax
import jax.numpy as jnp
from jax import lax
from jax.experimental import pallas as pl
from jax.experimental.pallas import tpu as pltpu
from jax.experimental.pallas import tpu_sc as plsc

_NUM_NODES = 100000
_D = 128
_B = 102400
_CTX = 10
_NPAIR = _CTX - 1
_EPS = 1e-15

_NW = 32
_WALKS = 2 * _B
_WPC = 16
_IDS_PER_CHUNK = _WPC * _CTX
_GRP = 80
_NGRP = _IDS_PER_CHUNK // _GRP
_CHUNKS = _WALKS // (_NW * _WPC)
_OUT_ROWS = _WPC * _NPAIR


def _sc_partial_dots(embedding, ids3d):
    mesh = plsc.VectorSubcoreMesh(core_axis_name="c", subcore_axis_name="s")

    @functools.partial(
        pl.kernel,
        out_type=jax.ShapeDtypeStruct((_WALKS * _NPAIR, 16), jnp.float32),
        mesh=mesh,
        scratch_types=[
            pltpu.VMEM((_NGRP, _GRP), jnp.int32),
            pltpu.VMEM((_NGRP, _GRP), jnp.int32),
            pltpu.VMEM((_IDS_PER_CHUNK, _D), jnp.float32),
            pltpu.VMEM((_IDS_PER_CHUNK, _D), jnp.float32),
            pltpu.VMEM((_OUT_ROWS, 16), jnp.float32),
            pltpu.VMEM((_OUT_ROWS, 16), jnp.float32),
            pltpu.SemaphoreType.DMA,
            pltpu.SemaphoreType.DMA,
            pltpu.SemaphoreType.DMA,
            pltpu.SemaphoreType.DMA,
            pltpu.SemaphoreType.DMA,
            pltpu.SemaphoreType.DMA,
        ],
    )
    def sc_kernel(table_hbm, ids_hbm, out_hbm,
                  idx0, idx1, rows0, rows1, ob0, ob1,
                  isem0, isem1, rsem0, rsem1, osem0, osem1):
        wid = lax.axis_index("s") * 2 + lax.axis_index("c")
        cc0 = wid * _CHUNKS

        idxb = (idx0, idx1)
        rowb = (rows0, rows1)
        outb = (ob0, ob1)
        isem = (isem0, isem1)
        rsem = (rsem0, rsem1)
        osem = (osem0, osem1)

        def start_gathers(b, _):
            for grp in range(_NGRP):
                pltpu.async_copy(
                    table_hbm.at[idxb[b].at[grp]],
                    rowb[b].at[pl.ds(grp * _GRP, _GRP)],
                    rsem[b],
                )

        def wait_gathers(b):
            for grp in range(_NGRP):
                pltpu.make_async_copy(
                    table_hbm.at[idxb[b].at[grp]],
                    rowb[b].at[pl.ds(grp * _GRP, _GRP)],
                    rsem[b],
                ).wait()

        def out_slice(c):
            return out_hbm.at[pl.ds((cc0 + c) * _OUT_ROWS, _OUT_ROWS)]

        def compute(b):
            rows = rowb[b]
            out = outb[b]

            @pl.loop(0, _WPC)
            def _(w):
                base = w * _CTX
                s = [rows[base, pl.ds(k * 16, 16)] for k in range(8)]
                for j in range(_NPAIR):
                    r = base + 1 + j
                    acc = s[0] * rows[r, pl.ds(0, 16)]
                    for k in range(1, 8):
                        acc = acc + s[k] * rows[r, pl.ds(k * 16, 16)]
                    out[w * _NPAIR + j, :] = acc

        def process(c, b):
            wait_gathers(b)

            @pl.when(c + 2 < _CHUNKS)
            def _(c=c, b=b):
                pltpu.async_copy(ids_hbm.at[cc0 + c + 2], idxb[b], isem[b])

            @pl.when(c >= 2)
            def _(c=c, b=b):
                pltpu.make_async_copy(outb[b], out_slice(c), osem[b]).wait()

            compute(b)
            pltpu.async_copy(outb[b], out_slice(c), osem[b])

            @pl.when(c + 2 < _CHUNKS)
            def _(c=c, b=b):
                pltpu.make_async_copy(
                    ids_hbm.at[cc0 + c + 2], idxb[b], isem[b]
                ).wait()
                start_gathers(b, None)

        pltpu.sync_copy(ids_hbm.at[cc0], idx0)
        pltpu.sync_copy(ids_hbm.at[cc0 + 1], idx1)
        start_gathers(0, None)
        start_gathers(1, None)

        @pl.loop(0, _CHUNKS, step=2)
        def _(c):
            process(c, 0)
            process(c + 1, 1)

        pltpu.make_async_copy(ob0, out_slice(_CHUNKS - 2), osem0).wait()
        pltpu.make_async_copy(ob1, out_slice(_CHUNKS - 1), osem1).wait()

    return sc_kernel(embedding, ids3d)


def _tc_loss_body(pos_ref, neg_ref, out_ref):
    lane = lax.broadcasted_iota(jnp.int32, (_D, 8), 0)
    seg = lax.broadcasted_iota(jnp.int32, (_D, 8), 1)
    fold = (lane // 16 == seg).astype(jnp.float32)

    dn = (((1,), (0,)), ((), ()))
    dots_p = lax.dot_general(pos_ref[...], fold, dn,
                             preferred_element_type=jnp.float32)
    dots_n = lax.dot_general(neg_ref[...], fold, dn,
                             preferred_element_type=jnp.float32)
    term_p = -jnp.log(jnp.maximum(jax.nn.sigmoid(dots_p), 0.0) + _EPS)
    term_n = -jnp.log(jnp.maximum(1.0 - jax.nn.sigmoid(dots_n), 0.0) + _EPS)
    part = (jnp.sum(term_p) + jnp.sum(term_n)).reshape(1, 1)

    @pl.when(pl.program_id(0) == 0)
    def _():
        out_ref[...] = jnp.zeros((1, 1), jnp.float32)

    out_ref[...] += part


def _tc_loss(partials):
    rows_total = _WALKS * _NPAIR // 8
    half = rows_total // 2
    p2 = partials.reshape(rows_total, _D)
    rb = 1152
    nblk = half // rb
    out = pl.pallas_call(
        _tc_loss_body,
        grid=(nblk,),
        in_specs=[
            pl.BlockSpec((rb, _D), lambda i: (i, 0)),
            pl.BlockSpec((rb, _D), lambda i, n=nblk: (i + n, 0)),
        ],
        out_specs=pl.BlockSpec((1, 1), lambda i: (0, 0)),
        out_shape=jax.ShapeDtypeStruct((1, 1), jnp.float32),
    )(p2, p2)
    return out[0, 0]


def kernel(pos_rw, neg_rw, embedding):
    ids = jnp.concatenate(
        [pos_rw.reshape(-1), neg_rw.reshape(-1)]
    ).astype(jnp.int32)
    ids3d = ids.reshape(_NW * _CHUNKS, _NGRP, _GRP)
    partials = _sc_partial_dots(embedding, ids3d)
    total = _tc_loss(partials)
    return total / jnp.float32(_B * _NPAIR)

# --- scband reference (transcript-rebuilt; emitter-appended) ---
"""Pipeline reference for scband-node2-vec-model-61117384622199 (READ-ONLY COPY).

The authoritative reference and input builder live on the scoring server;
editing this copy changes nothing except your own understanding.
"""

import jax, jax.numpy as jnp
import numpy as np

NUM_NODES = 100000
EMBED_DIM = 128
NUM_WALKS = 102400
CTX = 10
EPS = 1e-15


def setup_inputs(seed: int = 0) -> dict:
    key = jax.random.key(seed)
    k1, k2, k3 = jax.random.split(key, 3)
    pos_rw = jax.random.randint(k1, (NUM_WALKS, CTX), 0, NUM_NODES)
    neg_rw = jax.random.randint(k2, (NUM_WALKS, CTX), 0, NUM_NODES)
    # learned parameter: node embedding table (torch nn.Embedding default init ~ N(0,1))
    embedding = jax.random.normal(k3, (NUM_NODES, EMBED_DIM), dtype=jnp.float32)
    return {"pos_rw": pos_rw, "neg_rw": neg_rw, "embedding": embedding}


def reference(pos_rw, neg_rw, embedding):
    # Faithful port of torch_geometric.nn.Node2Vec.loss
    def _half_loss(rw, positive):
        start = rw[:, 0]
        rest = rw[:, 1:]
        h_start = jnp.take(embedding, start, axis=0)[:, None, :]  # [B, 1, D]
        h_rest = jnp.take(embedding, rest.reshape(-1), axis=0).reshape(
            rw.shape[0], -1, embedding.shape[1]
        )  # [B, CTX-1, D]
        out = (h_start * h_rest).sum(axis=-1).reshape(-1)
        sig = jax.nn.sigmoid(out)
        if positive:
            return -jnp.log(sig + EPS).mean()
        else:
            return -jnp.log(1.0 - sig + EPS).mean()

    pos_loss = _half_loss(pos_rw, True)
    neg_loss = _half_loss(neg_rw, False)
    return pos_loss + neg_loss

if __name__ == "__main__":
    import jax
    _d = setup_inputs()
    print(jax.jit(kernel)(*tuple(_d.values())))

</pallas_src>

<mosaic_0001>
#map = affine_map<(d0, d1) -> (0, 0)>
#map1 = affine_map<(d0, d1) -> (0, 0, 0)>
module attributes {stable_mosaic.version = 14 : i64} {
  func.func @sc_kernel(%arg0: i32, %arg1: i32, %arg2: memref<100000x128xf32, #tpu.memory_space<hbm>>, %arg3: memref<12800x2x80xi32, #tpu.memory_space<hbm>>, %arg4: memref<1843200x16xf32, #tpu.memory_space<hbm>>, %arg5: memref<2x80xi32, #tpu.memory_space<vmem>>, %arg6: memref<2x80xi32, #tpu.memory_space<vmem>>, %arg7: memref<160x128xf32, #tpu.memory_space<vmem>>, %arg8: memref<160x128xf32, #tpu.memory_space<vmem>>, %arg9: memref<144x16xf32, #tpu.memory_space<vmem>>, %arg10: memref<144x16xf32, #tpu.memory_space<vmem>>, %arg11: memref<!tpu.dma_semaphore, #tpu.memory_space<semaphore_mem>>, %arg12: memref<!tpu.dma_semaphore, #tpu.memory_space<semaphore_mem>>, %arg13: memref<!tpu.dma_semaphore, #tpu.memory_space<semaphore_mem>>, %arg14: memref<!tpu.dma_semaphore, #tpu.memory_space<semaphore_mem>>, %arg15: memref<!tpu.dma_semaphore, #tpu.memory_space<semaphore_mem>>, %arg16: memref<!tpu.dma_semaphore, #tpu.memory_space<semaphore_mem>>) attributes {dimension_semantics = [#tpu.dimension_semantics<core_parallel>, #tpu.dimension_semantics<subcore_parallel>], iteration_bounds = array<i64: 2, 16>, scalar_prefetch = 0 : i64, scratch_operands = 12 : i64, tpu.core_type = #tpu.core_type<sc_vector_subcore>, window_params = [{transform_indices = #map}, {transform_indices = #map1}, {transform_indices = #map}]} {
    %mul3A = arith.constant 2 : i32
    %mul3A_0 = arith.muli %arg1, %mul3A : i32
    %add3A = arith.addi %mul3A_0, %arg0 : i32
    %mul3A_1 = arith.constant 400 : i32
    %mul3A_2 = arith.muli %add3A, %mul3A_1 : i32
    "tpu.region"() ({
      %run_scoped3A = tpu.sem_alloc : memref<!tpu.dma_semaphore, #tpu.memory_space<semaphore_mem>>
      %dma_start3A_63 = arith.constant 0 : i32
      %dma_start3A_64 = arith.constant 0 : i32
      %dma_start3A_65 = tpu.memref_slice %arg3[%mul3A_2, %dma_start3A_63, %dma_start3A_64] : memref<12800x2x80xi32, #tpu.memory_space<hbm>> -> memref<1x2x80xi32, #tpu.memory_space<hbm>>
      %dma_start3A_66 = tpu.memref_squeeze %dma_start3A_65 : memref<1x2x80xi32, #tpu.memory_space<hbm>> -> memref<2x80xi32, #tpu.memory_space<hbm>>
      %dma_start3A_67 = arith.constant 0 : i32
      %dma_start3A_68 = arith.constant 0 : i32
      %dma_start3A_69 = tpu.memref_slice %arg3[%mul3A_2, %dma_start3A_67, %dma_start3A_68] : memref<12800x2x80xi32, #tpu.memory_space<hbm>> -> memref<1x2x80xi32, #tpu.memory_space<hbm>>
      %dma_start3A_70 = tpu.memref_squeeze %dma_start3A_69 : memref<1x2x80xi32, #tpu.memory_space<hbm>> -> memref<2x80xi32, #tpu.memory_space<hbm>>
      tpu.enqueue_dma source(%dma_start3A_70 : memref<2x80xi32, #tpu.memory_space<hbm>>) target(%arg5 : memref<2x80xi32, #tpu.memory_space<vmem>>) target_semaphore(%run_scoped3A : memref<!tpu.dma_semaphore, #tpu.memory_space<semaphore_mem>>)
      %dma_wait3A_71 = arith.constant 0 : i32
      %dma_wait3A_72 = arith.constant 0 : i32
      %dma_wait3A_73 = tpu.memref_slice %arg3[%mul3A_2, %dma_wait3A_71, %dma_wait3A_72] : memref<12800x2x80xi32, #tpu.memory_space<hbm>> -> memref<1x2x80xi32, #tpu.memory_space<hbm>>
      %dma_wait3A_74 = tpu.memref_squeeze %dma_wait3A_73 : memref<1x2x80xi32, #tpu.memory_space<hbm>> -> memref<2x80xi32, #tpu.memory_space<hbm>>
      %dma_wait3A_75 = arith.constant 0 : i32
      %dma_wait3A_76 = arith.constant 0 : i32
      %dma_wait3A_77 = tpu.memref_slice %arg3[%mul3A_2, %dma_wait3A_75, %dma_wait3A_76] : memref<12800x2x80xi32, #tpu.memory_space<hbm>> -> memref<1x2x80xi32, #tpu.memory_space<hbm>>
      %dma_wait3A_78 = tpu.memref_squeeze %dma_wait3A_77 : memref<1x2x80xi32, #tpu.memory_space<hbm>> -> memref<2x80xi32, #tpu.memory_space<hbm>>
      tpu.wait_dma2 semaphore(%run_scoped3A : memref<!tpu.dma_semaphore, #tpu.memory_space<semaphore_mem>>) src(%dma_wait3A_78 : memref<2x80xi32, #tpu.memory_space<hbm>>) dst(%arg5 : memref<2x80xi32, #tpu.memory_space<vmem>>)
      tpu.yield
    }) : () -> ()
    %add3A_3 = arith.constant 1 : i32
    %add3A_4 = arith.addi %mul3A_2, %add3A_3 : i32
    "tpu.region"() ({
      %run_scoped3A = tpu.sem_alloc : memref<!tpu.dma_semaphore, #tpu.memory_space<semaphore_mem>>
      %dma_start3A_63 = arith.constant 0 : i32
      %dma_start3A_64 = arith.constant 0 : i32
      %dma_start3A_65 = tpu.memref_slice %arg3[%add3A_4, %dma_start3A_63, %dma_start3A_64] : memref<12800x2x80xi32, #tpu.memory_space<hbm>> -> memref<1x2x80xi32, #tpu.memory_space<hbm>>
      %dma_start3A_66 = tpu.memref_squeeze %dma_start3A_65 : memref<1x2x80xi32, #tpu.memory_space<hbm>> -> memref<2x80xi32, #tpu.memory_space<hbm>>
      %dma_start3A_67 = arith.constant 0 : i32
      %dma_start3A_68 = arith.constant 0 : i32
      %dma_start3A_69 = tpu.memref_slice %arg3[%add3A_4, %dma_start3A_67, %dma_start3A_68] : memref<12800x2x80xi32, #tpu.memory_space<hbm>> -> memref<1x2x80xi32, #tpu.memory_space<hbm>>
      %dma_start3A_70 = tpu.memref_squeeze %dma_start3A_69 : memref<1x2x80xi32, #tpu.memory_space<hbm>> -> memref<2x80xi32, #tpu.memory_space<hbm>>
      tpu.enqueue_dma source(%dma_start3A_70 : memref<2x80xi32, #tpu.memory_space<hbm>>) target(%arg6 : memref<2x80xi32, #tpu.memory_space<vmem>>) target_semaphore(%run_scoped3A : memref<!tpu.dma_semaphore, #tpu.memory_space<semaphore_mem>>)
      %dma_wait3A_71 = arith.constant 0 : i32
      %dma_wait3A_72 = arith.constant 0 : i32
      %dma_wait3A_73 = tpu.memref_slice %arg3[%add3A_4, %dma_wait3A_71, %dma_wait3A_72] : memref<12800x2x80xi32, #tpu.memory_space<hbm>> -> memref<1x2x80xi32, #tpu.memory_space<hbm>>
      %dma_wait3A_74 = tpu.memref_squeeze %dma_wait3A_73 : memref<1x2x80xi32, #tpu.memory_space<hbm>> -> memref<2x80xi32, #tpu.memory_space<hbm>>
      %dma_wait3A_75 = arith.constant 0 : i32
      %dma_wait3A_76 = arith.constant 0 : i32
      %dma_wait3A_77 = tpu.memref_slice %arg3[%add3A_4, %dma_wait3A_75, %dma_wait3A_76] : memref<12800x2x80xi32, #tpu.memory_space<hbm>> -> memref<1x2x80xi32, #tpu.memory_space<hbm>>
      %dma_wait3A_78 = tpu.memref_squeeze %dma_wait3A_77 : memref<1x2x80xi32, #tpu.memory_space<hbm>> -> memref<2x80xi32, #tpu.memory_space<hbm>>
      tpu.wait_dma2 semaphore(%run_scoped3A : memref<!tpu.dma_semaphore, #tpu.memory_space<semaphore_mem>>) src(%dma_wait3A_78 : memref<2x80xi32, #tpu.memory_space<hbm>>) dst(%arg6 : memref<2x80xi32, #tpu.memory_space<vmem>>)
      tpu.yield
    }) : () -> ()
    %dma_start3A = arith.constant 0 : i32
    %dma_start3A_5 = arith.constant 0 : i32
    %dma_start3A_6 = arith.constant 0 : i32
    %dma_start3A_7 = tpu.memref_slice %arg7[%dma_start3A_5, %dma_start3A_6] : memref<160x128xf32, #tpu.memory_space<vmem>> -> memref<80x128xf32, #tpu.memory_space<vmem>>
    %dma_start3A_8 = arith.constant 0 : i32
    %dma_start3A_9 = tpu.memref_slice %arg5[%dma_start3A, %dma_start3A_8] : memref<2x80xi32, #tpu.memory_space<vmem>> -> memref<1x80xi32, #tpu.memory_space<vmem>>
    %dma_start3A_10 = tpu.memref_squeeze %dma_start3A_9 : memref<1x80xi32, #tpu.memory_space<vmem>> -> memref<80xi32, #tpu.memory_space<vmem>>
    %dma_start3A_11 = arith.constant 0 : i32
    %dma_start3A_12 = arith.constant 0 : i32
    %dma_start3A_13 = tpu.memref_slice %arg2[%dma_start3A_11, %dma_start3A_12] : memref<100000x128xf32, #tpu.memory_space<hbm>> -> memref<100000x128xf32, #tpu.memory_space<hbm>>
    tpu.enqueue_indirect_dma source(%dma_start3A_13 : memref<100000x128xf32, #tpu.memory_space<hbm>>) target(%dma_start3A_7 : memref<80x128xf32, #tpu.memory_space<vmem>>) offsets(%dma_start3A_10 : memref<80xi32, #tpu.memory_space<vmem>>) semaphore(%arg13 : memref<!tpu.dma_semaphore, #tpu.memory_space<semaphore_mem>>)
    %dma_start3A_14 = arith.constant 1 : i32
    %dma_start3A_15 = arith.constant 80 : i32
    %dma_start3A_16 = arith.constant 0 : i32
    %dma_start3A_17 = tpu.memref_slice %arg7[%dma_start3A_15, %dma_start3A_16] : memref<160x128xf32, #tpu.memory_space<vmem>> -> memref<80x128xf32, #tpu.memory_space<vmem>>
    %dma_start3A_18 = arith.constant 0 : i32
    %dma_start3A_19 = tpu.memref_slice %arg5[%dma_start3A_14, %dma_start3A_18] : memref<2x80xi32, #tpu.memory_space<vmem>> -> memref<1x80xi32, #tpu.memory_space<vmem>>
    %dma_start3A_20 = tpu.memref_squeeze %dma_start3A_19 : memref<1x80xi32, #tpu.memory_space<vmem>> -> memref<80xi32, #tpu.memory_space<vmem>>
    %dma_start3A_21 = arith.constant 0 : i32
    %dma_start3A_22 = arith.constant 0 : i32
    %dma_start3A_23 = tpu.memref_slice %arg2[%dma_start3A_21, %dma_start3A_22] : memref<100000x128xf32, #tpu.memory_space<hbm>> -> memref<100000x128xf32, #tpu.memory_space<hbm>>
    tpu.enqueue_indirect_dma source(%dma_start3A_23 : memref<100000x128xf32, #tpu.memory_space<hbm>>) target(%dma_start3A_17 : memref<80x128xf32, #tpu.memory_space<vmem>>) offsets(%dma_start3A_20 : memref<80xi32, #tpu.memory_space<vmem>>) semaphore(%arg13 : memref<!tpu.dma_semaphore, #tpu.memory_space<semaphore_mem>>)
    %dma_start3A_24 = arith.constant 0 : i32
    %dma_start3A_25 = arith.constant 0 : i32
    %dma_start3A_26 = arith.constant 0 : i32
    %dma_start3A_27 = tpu.memref_slice %arg8[%dma_start3A_25, %dma_start3A_26] : memref<160x128xf32, #tpu.memory_space<vmem>> -> memref<80x128xf32, #tpu.memory_space<vmem>>
    %dma_start3A_28 = arith.constant 0 : i32
    %dma_start3A_29 = tpu.memref_slice %arg6[%dma_start3A_24, %dma_start3A_28] : memref<2x80xi32, #tpu.memory_space<vmem>> -> memref<1x80xi32, #tpu.memory_space<vmem>>
    %dma_start3A_30 = tpu.memref_squeeze %dma_start3A_29 : memref<1x80xi32, #tpu.memory_space<vmem>> -> memref<80xi32, #tpu.memory_space<vmem>>
    %dma_start3A_31 = arith.constant 0 : i32
    %dma_start3A_32 = arith.constant 0 : i32
    %dma_start3A_33 = tpu.memref_slice %arg2[%dma_start3A_31, %dma_start3A_32] : memref<100000x128xf32, #tpu.memory_space<hbm>> -> memref<100000x128xf32, #tpu.memory_space<hbm>>
    tpu.enqueue_indirect_dma source(%dma_start3A_33 : memref<100000x128xf32, #tpu.memory_space<hbm>>) target(%dma_start3A_27 : memref<80x128xf32, #tpu.memory_space<vmem>>) offsets(%dma_start3A_30 : memref<80xi32, #tpu.memory_space<vmem>>) semaphore(%arg14 : memref<!tpu.dma_semaphore, #tpu.memory_space<semaphore_mem>>)
    %dma_start3A_34 = arith.constant 1 : i32
    %dma_start3A_35 = arith.constant 80 : i32
    %dma_start3A_36 = arith.constant 0 : i32
    %dma_start3A_37 = tpu.memref_slice %arg8[%dma_start3A_35, %dma_start3A_36] : memref<160x128xf32, #tpu.memory_space<vmem>> -> memref<80x128xf32, #tpu.memory_space<vmem>>
    %dma_start3A_38 = arith.constant 0 : i32
    %dma_start3A_39 = tpu.memref_slice %arg6[%dma_start3A_34, %dma_start3A_38] : memref<2x80xi32, #tpu.memory_space<vmem>> -> memref<1x80xi32, #tpu.memory_space<vmem>>
    %dma_start3A_40 = tpu.memref_squeeze %dma_start3A_39 : memref<1x80xi32, #tpu.memory_space<vmem>> -> memref<80xi32, #tpu.memory_space<vmem>>
    %dma_start3A_41 = arith.constant 0 : i32
    %dma_start3A_42 = arith.constant 0 : i32
    %dma_start3A_43 = tpu.memref_slice %arg2[%dma_start3A_41, %dma_start3A_42] : memref<100000x128xf32, #tpu.memory_space<hbm>> -> memref<100000x128xf32, #tpu.memory_space<hbm>>
    tpu.enqueue_indirect_dma source(%dma_start3A_43 : memref<100000x128xf32, #tpu.memory_space<hbm>>) target(%dma_start3A_37 : memref<80x128xf32, #tpu.memory_space<vmem>>) offsets(%dma_start3A_40 : memref<80xi32, #tpu.memory_space<vmem>>) semaphore(%arg14 : memref<!tpu.dma_semaphore, #tpu.memory_space<semaphore_mem>>)
    %scan3A = arith.constant 0 : i32
    %scan3A_44 = arith.constant 200 : i32
    %scan3A_45 = arith.addi %scan3A, %scan3A_44 : i32
    %scan3A_46 = arith.constant 1 : i32
    scf.for %scan3A_63 = %scan3A to %scan3A_45 step %scan3A_46  : i32 {
      %mul3A_64 = arith.constant 2 : i32
      %mul3A_65 = arith.muli %scan3A_63, %mul3A_64 : i32
      %add3A_66 = arith.constant 0 : i32
      %add3A_67 = arith.addi %add3A_66, %mul3A_65 : i32
      %dma_wait3A_68 = arith.constant 0 : i32
      %dma_wait3A_69 = arith.constant 0 : i32
      %dma_wait3A_70 = arith.constant 0 : i32
      %dma_wait3A_71 = tpu.memref_slice %arg7[%dma_wait3A_69, %dma_wait3A_70] : memref<160x128xf32, #tpu.memory_space<vmem>> -> memref<80x128xf32, #tpu.memory_space<vmem>>
      %dma_wait3A_72 = arith.constant 0 : i32
      %dma_wait3A_73 = tpu.memref_slice %arg5[%dma_wait3A_68, %dma_wait3A_72] : memref<2x80xi32, #tpu.memory_space<vmem>> -> memref<1x80xi32, #tpu.memory_space<vmem>>
      %dma_wait3A_74 = tpu.memref_squeeze %dma_wait3A_73 : memref<1x80xi32, #tpu.memory_space<vmem>> -> memref<80xi32, #tpu.memory_space<vmem>>
      %dma_wait3A_75 = arith.constant 0 : i32
      %dma_wait3A_76 = arith.constant 0 : i32
      %dma_wait3A_77 = tpu.memref_slice %arg2[%dma_wait3A_75, %dma_wait3A_76] : memref<100000x128xf32, #tpu.memory_space<hbm>> -> memref<100000x128xf32, #tpu.memory_space<hbm>>
      tpu.wait_indirect_dma semaphore(%arg13 : memref<!tpu.dma_semaphore, #tpu.memory_space<semaphore_mem>>) src(%dma_wait3A_77 : memref<100000x128xf32, #tpu.memory_space<hbm>>) dst(%dma_wait3A_71 : memref<80x128xf32, #tpu.memory_space<vmem>>)
      %dma_wait3A_78 = arith.constant 1 : i32
      %dma_wait3A_79 = arith.constant 80 : i32
      %dma_wait3A_80 = arith.constant 0 : i32
      %dma_wait3A_81 = tpu.memref_slice %arg7[%dma_wait3A_79, %dma_wait3A_80] : memref<160x128xf32, #tpu.memory_space<vmem>> -> memref<80x128xf32, #tpu.memory_space<vmem>>
      %dma_wait3A_82 = arith.constant 0 : i32
      %dma_wait3A_83 = tpu.memref_slice %arg5[%dma_wait3A_78, %dma_wait3A_82] : memref<2x80xi32, #tpu.memory_space<vmem>> -> memref<1x80xi32, #tpu.memory_space<vmem>>
      %dma_wait3A_84 = tpu.memref_squeeze %dma_wait3A_83 : memref<1x80xi32, #tpu.memory_space<vmem>> -> memref<80xi32, #tpu.memory_space<vmem>>
      %dma_wait3A_85 = arith.constant 0 : i32
      %dma_wait3A_86 = arith.constant 0 : i32
      %dma_wait3A_87 = tpu.memref_slice %arg2[%dma_wait3A_85, %dma_wait3A_86] : memref<100000x128xf32, #tpu.memory_space<hbm>> -> memref<100000x128xf32, #tpu.memory_space<hbm>>
      tpu.wait_indirect_dma semaphore(%arg13 : memref<!tpu.dma_semaphore, #tpu.memory_space<semaphore_mem>>) src(%dma_wait3A_87 : memref<100000x128xf32, #tpu.memory_space<hbm>>) dst(%dma_wait3A_81 : memref<80x128xf32, #tpu.memory_space<vmem>>)
      %add3A_88 = arith.constant 2 : i32
      %add3A_89 = arith.addi %add3A_67, %add3A_88 : i32
      %lt3A = arith.constant 400 : i32
      %lt3A_90 = arith.cmpi slt, %add3A_89, %lt3A : i32
      %convert_element_type3A = arith.extui %lt3A_90 : i1 to i32
      %cond3A = arith.constant 0 : i32
      %cond3A_91 = arith.cmpi ne, %convert_element_type3A, %cond3A : i32
      scf.if %cond3A_91 {
        %add3A_168 = arith.addi %mul3A_2, %add3A_67 : i32
        %add3A_169 = arith.constant 2 : i32
        %add3A_170 = arith.addi %add3A_168, %add3A_169 : i32
        %dma_start3A_171 = arith.constant 0 : i32
        %dma_start3A_172 = arith.constant 0 : i32
        %dma_start3A_173 = tpu.memref_slice %arg3[%add3A_170, %dma_start3A_171, %dma_start3A_172] : memref<12800x2x80xi32, #tpu.memory_space<hbm>> -> memref<1x2x80xi32, #tpu.memory_space<hbm>>
        %dma_start3A_174 = tpu.memref_squeeze %dma_start3A_173 : memref<1x2x80xi32, #tpu.memory_space<hbm>> -> memref<2x80xi32, #tpu.memory_space<hbm>>
        %dma_start3A_175 = arith.constant 0 : i32
        %dma_start3A_176 = arith.constant 0 : i32
        %dma_start3A_177 = tpu.memref_slice %arg3[%add3A_170, %dma_start3A_175, %dma_start3A_176] : memref<12800x2x80xi32, #tpu.memory_space<hbm>> -> memref<1x2x80xi32, #tpu.memory_space<hbm>>
        %dma_start3A_178 = tpu.memref_squeeze %dma_start3A_177 : memref<1x2x80xi32, #tpu.memory_space<hbm>> -> memref<2x80xi32, #tpu.memory_space<hbm>>
        tpu.enqueue_dma source(%dma_start3A_178 : memref<2x80xi32, #tpu.memory_space<hbm>>) target(%arg5 : memref<2x80xi32, #tpu.memory_space<vmem>>) target_semaphore(%arg11 : memref<!tpu.dma_semaphore, #tpu.memory_space<semaphore_mem>>)
      } else {
      }
      %ge3A = arith.constant 2 : i32
      %ge3A_92 = arith.cmpi sge, %add3A_67, %ge3A : i32
      %convert_element_type3A_93 = arith.extui %ge3A_92 : i1 to i32
      %cond3A_94 = arith.constant 0 : i32
      %cond3A_95 = arith.cmpi ne, %convert_element_type3A_93, %cond3A_94 : i32
      scf.if %cond3A_95 {
        %add3A_168 = arith.addi %mul3A_2, %add3A_67 : i32
        %mul3A_169 = arith.constant 144 : i32
        %mul3A_170 = arith.muli %add3A_168, %mul3A_169 : i32
        %dma_wait3A_171 = arith.constant 0 : i32
        %dma_wait3A_172 = tpu.memref_slice %arg4[%mul3A_170, %dma_wait3A_171] : memref<1843200x16xf32, #tpu.memory_space<hbm>> -> memref<144x16xf32, #tpu.memory_space<hbm>>
        %dma_wait3A_173 = arith.constant 0 : i32
        %dma_wait3A_174 = tpu.memref_slice %arg4[%mul3A_170, %dma_wait3A_173] : memref<1843200x16xf32, #tpu.memory_space<hbm>> -> memref<144x16xf32, #tpu.memory_space<hbm>>
        tpu.wait_dma2 semaphore(%arg15 : memref<!tpu.dma_semaphore, #tpu.memory_space<semaphore_mem>>) src(%arg9 : memref<144x16xf32, #tpu.memory_space<vmem>>) dst(%dma_wait3A_174 : memref<144x16xf32, #tpu.memory_space<hbm>>)
      } else {
      }
      %scan3A_96 = arith.constant 0 : i32
      %scan3A_97 = arith.constant 16 : i32
      %scan3A_98 = arith.addi %scan3A_96, %scan3A_97 : i32
      %scan3A_99 = arith.constant 1 : i32
      scf.for %scan3A_168 = %scan3A_96 to %scan3A_98 step %scan3A_99  : i32 {
        %mul3A_169 = arith.constant 1 : i32
        %mul3A_170 = arith.muli %scan3A_168, %mul3A_169 : i32
        %add3A_171 = arith.constant 0 : i32
        %add3A_172 = arith.addi %add3A_171, %mul3A_170 : i32
        %mul3A_173 = arith.constant 10 : i32
        %mul3A_174 = arith.muli %add3A_172, %mul3A_173 : i32
        %get3A = arith.index_cast %mul3A_174 : i32 to index
        %get3A_175 = arith.constant 0 : index
        %get3A_176 = tpu.vector_load %arg7[%get3A, %get3A_175] {strides = array<i32>} : memref<160x128xf32, #tpu.memory_space<vmem>>, vector<1x16xf32>,
        %get3A_177 = vector.shape_cast %get3A_176 : vector<1x16xf32> to vector<16xf32>
        %get3A_178 = arith.index_cast %mul3A_174 : i32 to index
        %get3A_179 = arith.constant 16 : index
        %get3A_180 = tpu.vector_load %arg7[%get3A_178, %get3A_179] {strides = array<i32>} : memref<160x128xf32, #tpu.memory_space<vmem>>, vector<1x16xf32>,
        %get3A_181 = vector.shape_cast %get3A_180 : vector<1x16xf32> to vector<16xf32>
        %get3A_182 = arith.index_cast %mul3A_174 : i32 to index
        %get3A_183 = arith.constant 32 : index
        %get3A_184 = tpu.vector_load %arg7[%get3A_182, %get3A_183] {strides = array<i32>} : memref<160x128xf32, #tpu.memory_space<vmem>>, vector<1x16xf32>,
        %get3A_185 = vector.shape_cast %get3A_184 : vector<1x16xf32> to vector<16xf32>
        %get3A_186 = arith.index_cast %mul3A_174 : i32 to index
        %get3A_187 = arith.constant 48 : index
        %get3A_188 = tpu.vector_load %arg7[%get3A_186, %get3A_187] {strides = array<i32>} : memref<160x128xf32, #tpu.memory_space<vmem>>, vector<1x16xf32>,
        %get3A_189 = vector.shape_cast %get3A_188 : vector<1x16xf32> to vector<16xf32>
        %get3A_190 = arith.index_cast %mul3A_174 : i32 to index
        %get3A_191 = arith.constant 64 : index
        %get3A_192 = tpu.vector_load %arg7[%get3A_190, %get3A_191] {strides = array<i32>} : memref<160x128xf32, #tpu.memory_space<vmem>>, vector<1x16xf32>,
        %get3A_193 = vector.shape_cast %get3A_192 : vector<1x16xf32> to vector<16xf32>
        %get3A_194 = arith.index_cast %mul3A_174 : i32 to index
        %get3A_195 = arith.constant 80 : index
        %get3A_196 = tpu.vector_load %arg7[%get3A_194, %get3A_195] {strides = array<i32>} : memref<160x128xf32, #tpu.memory_space<vmem>>, vector<1x16xf32>,
        %get3A_197 = vector.shape_cast %get3A_196 : vector<1x16xf32> to vector<16xf32>
        %get3A_198 = arith.index_cast %mul3A_174 : i32 to index
        %get3A_199 = arith.constant 96 : index
        %get3A_200 = tpu.vector_load %arg7[%get3A_198, %get3A_199] {strides = array<i32>} : memref<160x128xf32, #tpu.memory_space<vmem>>, vector<1x16xf32>,
        %get3A_201 = vector.shape_cast %get3A_200 : vector<1x16xf32> to vector<16xf32>
        %get3A_202 = arith.index_cast %mul3A_174 : i32 to index
        %get3A_203 = arith.constant 112 : index
        %get3A_204 = tpu.vector_load %arg7[%get3A_202, %get3A_203] {strides = array<i32>} : memref<160x128xf32, #tpu.memory_space<vmem>>, vector<1x16xf32>,
        %get3A_205 = vector.shape_cast %get3A_204 : vector<1x16xf32> to vector<16xf32>
        %add3A_206 = arith.constant 1 : i32
        %add3A_207 = arith.addi %mul3A_174, %add3A_206 : i32
        %add3A_208 = arith.constant 0 : i32
        %add3A_209 = arith.addi %add3A_207, %add3A_208 : i32
        %get3A_210 = arith.index_cast %add3A_209 : i32 to index
        %get3A_211 = arith.constant 0 : index
        %get3A_212 = tpu.vector_load %arg7[%get3A_210, %get3A_211] {strides = array<i32>} : memref<160x128xf32, #tpu.memory_space<vmem>>, vector<1x16xf32>,
        %get3A_213 = vector.shape_cast %get3A_212 : vector<1x16xf32> to vector<16xf32>
        %mul3A_214 = arith.mulf %get3A_177, %get3A_213 : vector<16xf32>
        %get3A_215 = arith.index_cast %add3A_209 : i32 to index
        %get3A_216 = arith.constant 16 : index
        %get3A_217 = tpu.vector_load %arg7[%get3A_215, %get3A_216] {strides = array<i32>} : memref<160x128xf32, #tpu.memory_space<vmem>>, vector<1x16xf32>,
        %get3A_218 = vector.shape_cast %get3A_217 : vector<1x16xf32> to vector<16xf32>
        %mul3A_219 = arith.mulf %get3A_181, %get3A_218 : vector<16xf32>
        %add3A_220 = arith.addf %mul3A_214, %mul3A_219 : vector<16xf32>
        %get3A_221 = arith.index_cast %add3A_209 : i32 to index
        %get3A_222 = arith.constant 32 : index
        %get3A_223 = tpu.vector_load %arg7[%get3A_221, %get3A_222] {strides = array<i32>} : memref<160x128xf32, #tpu.memory_space<vmem>>, vector<1x16xf32>,
        %get3A_224 = vector.shape_cast %get3A_223 : vector<1x16xf32> to vector<16xf32>
        %mul3A_225 = arith.mulf %get3A_185, %get3A_224 : vector<16xf32>
        %add3A_226 = arith.addf %add3A_220, %mul3A_225 : vector<16xf32>
        %get3A_227 = arith.index_cast %add3A_209 : i32 to index
        %get3A_228 = arith.constant 48 : index
        %get3A_229 = tpu.vector_load %arg7[%get3A_227, %get3A_228] {strides = array<i32>} : memref<160x128xf32, #tpu.memory_space<vmem>>, vector<1x16xf32>,
        %get3A_230 = vector.shape_cast %get3A_229 : vector<1x16xf32> to vector<16xf32>
        %mul3A_231 = arith.mulf %get3A_189, %get3A_230 : vector<16xf32>
        %add3A_232 = arith.addf %add3A_226, %mul3A_231 : vector<16xf32>
        %get3A_233 = arith.index_cast %add3A_209 : i32 to index
        %get3A_234 = arith.constant 64 : index
        %get3A_235 = tpu.vector_load %arg7[%get3A_233, %get3A_234] {strides = array<i32>} : memref<160x128xf32, #tpu.memory_space<vmem>>, vector<1x16xf32>,
        %get3A_236 = vector.shape_cast %get3A_235 : vector<1x16xf32> to vector<16xf32>
        %mul3A_237 = arith.mulf %get3A_193, %get3A_236 : vector<16xf32>
        %add3A_238 = arith.addf %add3A_232, %mul3A_237 : vector<16xf32>
        %get3A_239 = arith.index_cast %add3A_209 : i32 to index
        %get3A_240 = arith.constant 80 : index
        %get3A_241 = tpu.vector_load %arg7[%get3A_239, %get3A_240] {strides = array<i32>} : memref<160x128xf32, #tpu.memory_space<vmem>>, vector<1x16xf32>,
        %get3A_242 = vector.shape_cast %get3A_241 : vector<1x16xf32> to vector<16xf32>
        %mul3A_243 = arith.mulf %get3A_197, %get3A_242 : vector<16xf32>
        %add3A_244 = arith.addf %add3A_238, %mul3A_243 : vector<16xf32>
        %get3A_245 = arith.index_cast %add3A_209 : i32 to index
        %get3A_246 = arith.constant 96 : index
        %get3A_247 = tpu.vector_load %arg7[%get3A_245, %get3A_246] {strides = array<i32>} : memref<160x128xf32, #tpu.memory_space<vmem>>, vector<1x16xf32>,
        %get3A_248 = vector.shape_cast %get3A_247 : vector<1x16xf32> to vector<16xf32>
        %mul3A_249 = arith.mulf %get3A_201, %get3A_248 : vector<16xf32>
        %add3A_250 = arith.addf %add3A_244, %mul3A_249 : vector<16xf32>
        %get3A_251 = arith.index_cast %add3A_209 : i32 to index
        %get3A_252 = arith.constant 112 : index
        %get3A_253 = tpu.vector_load %arg7[%get3A_251, %get3A_252] {strides = array<i32>} : memref<160x128xf32, #tpu.memory_space<vmem>>, vector<1x16xf32>,
        %get3A_254 = vector.shape_cast %get3A_253 : vector<1x16xf32> to vector<16xf32>
        %mul3A_255 = arith.mulf %get3A_205, %get3A_254 : vector<16xf32>
        %add3A_256 = arith.addf %add3A_250, %mul3A_255 : vector<16xf32>
        %mul3A_257 = arith.constant 9 : i32
        %mul3A_258 = arith.muli %add3A_172, %mul3A_257 : i32
        %add3A_259 = arith.constant 0 : i32
        %add3A_260 = arith.addi %mul3A_258, %add3A_259 : i32
        %swap3A = arith.index_cast %add3A_260 : i32 to index
        %swap3A_261 = arith.constant 0 : index
        %swap3A_262 = tpu.vector_load %arg9[%swap3A, %swap3A_261] {strides = array<i32>} : memref<144x16xf32, #tpu.memory_space<vmem>>, vector<1x16xf32>,
        %swap3A_263 = vector.shape_cast %swap3A_262 : vector<1x16xf32> to vector<16xf32>
        %swap3A_264 = vector.shape_cast %add3A_256 : vector<16xf32> to vector<1x16xf32>
        tpu.vector_store %arg9[%swap3A, %swap3A_261], %swap3A_264 {strides = array<i32>} : memref<144x16xf32, #tpu.memory_space<vmem>>, vector<1x16xf32>,
        %add3A_265 = arith.constant 1 : i32
        %add3A_266 = arith.addi %mul3A_174, %add3A_265 : i32
        %add3A_267 = arith.constant 1 : i32
        %add3A_268 = arith.addi %add3A_266, %add3A_267 : i32
        %get3A_269 = arith.index_cast %add3A_268 : i32 to index
        %get3A_270 = arith.constant 0 : index
        %get3A_271 = tpu.vector_load %arg7[%get3A_269, %get3A_270] {strides = array<i32>} : memref<160x128xf32, #tpu.memory_space<vmem>>, vector<1x16xf32>,
        %get3A_272 = vector.shape_cast %get3A_271 : vector<1x16xf32> to vector<16xf32>
        %mul3A_273 = arith.mulf %get3A_177, %get3A_272 : vector<16xf32>
        %get3A_274 = arith.index_cast %add3A_268 : i32 to index
        %get3A_275 = arith.constant 16 : index
        %get3A_276 = tpu.vector_load %arg7[%get3A_274, %get3A_275] {strides = array<i32>} : memref<160x128xf32, #tpu.memory_space<vmem>>, vector<1x16xf32>,
        %get3A_277 = vector.shape_cast %get3A_276 : vector<1x16xf32> to vector<16xf32>
        %mul3A_278 = arith.mulf %get3A_181, %get3A_277 : vector<16xf32>
        %add3A_279 = arith.addf %mul3A_273, %mul3A_278 : vector<16xf32>
        %get3A_280 = arith.index_cast %add3A_268 : i32 to index
        %get3A_281 = arith.constant 32 : index
        %get3A_282 = tpu.vector_load %arg7[%get3A_280, %get3A_281] {strides = array<i32>} : memref<160x128xf32, #tpu.memory_space<vmem>>, vector<1x16xf32>,
        %get3A_283 = vector.shape_cast %get3A_282 : vector<1x16xf32> to vector<16xf32>
        %mul3A_284 = arith.mulf %get3A_185, %get3A_283 : vector<16xf32>
        %add3A_285 = arith.addf %add3A_279, %mul3A_284 : vector<16xf32>
        %get3A_286 = arith.index_cast %add3A_268 : i32 to index
        %get3A_287 = arith.constant 48 : index
        %get3A_288 = tpu.vector_load %arg7[%get3A_286, %get3A_287] {strides = array<i32>} : memref<160x128xf32, #tpu.memory_space<vmem>>, vector<1x16xf32>,
        %get3A_289 = vector.shape_cast %get3A_288 : vector<1x16xf32> to vector<16xf32>
        %mul3A_290 = arith.mulf %get3A_189, %get3A_289 : vector<16xf32>
        %add3A_291 = arith.addf %add3A_285, %mul3A_290 : vector<16xf32>
        %get3A_292 = arith.index_cast %add3A_268 : i32 to index
        %get3A_293 = arith.constant 64 : index
        %get3A_294 = tpu.vector_load %arg7[%get3A_292, %get3A_293] {strides = array<i32>} : memref<160x128xf32, #tpu.memory_space<vmem>>, vector<1x16xf32>,
        %get3A_295 = vector.shape_cast %get3A_294 : vector<1x16xf32> to vector<16xf32>
        %mul3A_296 = arith.mulf %get3A_193, %get3A_295 : vector<16xf32>
        %add3A_297 = arith.addf %add3A_291, %mul3A_296 : vector<16xf32>
        %get3A_298 = arith.index_cast %add3A_268 : i32 to index
        %get3A_299 = arith.constant 80 : index
        %get3A_300 = tpu.vector_load %arg7[%get3A_298, %get3A_299] {strides = array<i32>} : memref<160x128xf32, #tpu.memory_space<vmem>>, vector<1x16xf32>,
        %get3A_301 = vector.shape_cast %get3A_300 : vector<1x16xf32> to vector<16xf32>
        %mul3A_302 = arith.mulf %get3A_197, %get3A_301 : vector<16xf32>
        %add3A_303 = arith.addf %add3A_297, %mul3A_302 : vector<16xf32>
        %get3A_304 = arith.index_cast %add3A_268 : i32 to index
        %get3A_305 = arith.constant 96 : index
        %get3A_306 = tpu.vector_load %arg7[%get3A_304, %get3A_305] {strides = array<i32>} : memref<160x128xf32, #tpu.memory_space<vmem>>, vector<1x16xf32>,
        %get3A_307 = vector.shape_cast %get3A_306 : vector<1x16xf32> to vector<16xf32>
        %mul3A_308 = arith.mulf %get3A_201, %get3A_307 : vector<16xf32>
        %add3A_309 = arith.addf %add3A_303, %mul3A_308 : vector<16xf32>
        %get3A_310 = arith.index_cast %add3A_268 : i32 to index
        %get3A_311 = arith.constant 112 : index
        %get3A_312 = tpu.vector_load %arg7[%get3A_310, %get3A_311] {strides = array<i32>} : memref<160x128xf32, #tpu.memory_space<vmem>>, vector<1x16xf32>,
        %get3A_313 = vector.shape_cast %get3A_312 : vector<1x16xf32> to vector<16xf32>
        %mul3A_314 = arith.mulf %get3A_205, %get3A_313 : vector<16xf32>
        %add3A_315 = arith.addf %add3A_309, %mul3A_314 : vector<16xf32>
        %mul3A_316 = arith.constant 9 : i32
        %mul3A_317 = arith.muli %add3A_172, %mul3A_316 : i32
        %add3A_318 = arith.constant 1 : i32
        %add3A_319 = arith.addi %mul3A_317, %add3A_318 : i32
        %swap3A_320 = arith.index_cast %add3A_319 : i32 to index
        %swap3A_321 = arith.constant 0 : index
        %swap3A_322 = tpu.vector_load %arg9[%swap3A_320, %swap3A_321] {strides = array<i32>} : memref<144x16xf32, #tpu.memory_space<vmem>>, vector<1x16xf32>,
        %swap3A_323 = vector.shape_cast %swap3A_322 : vector<1x16xf32> to vector<16xf32>
        %swap3A_324 = vector.shape_cast %add3A_315 : vector<16xf32> to vector<1x16xf32>
        tpu.vector_store %arg9[%swap3A_320, %swap3A_321], %swap3A_324 {strides = array<i32>} : memref<144x16xf32, #tpu.memory_space<vmem>>, vector<1x16xf32>,
        %add3A_325 = arith.constant 1 : i32
        %add3A_326 = arith.addi %mul3A_174, %add3A_325 : i32
        %add3A_327 = arith.constant 2 : i32
        %add3A_328 = arith.addi %add3A_326, %add3A_327 : i32
        %get3A_329 = arith.index_cast %add3A_328 : i32 to index
        %get3A_330 = arith.constant 0 : index
        %get3A_331 = tpu.vector_load %arg7[%get3A_329, %get3A_330] {strides = array<i32>} : memref<160x128xf32, #tpu.memory_space<vmem>>, vector<1x16xf32>,
        %get3A_332 = vector.shape_cast %get3A_331 : vector<1x16xf32> to vector<16xf32>
        %mul3A_333 = arith.mulf %get3A_177, %get3A_332 : vector<16xf32>
        %get3A_334 = arith.index_cast %add3A_328 : i32 to index
        %get3A_335 = arith.constant 16 : index
        %get3A_336 = tpu.vector_load %arg7[%get3A_334, %get3A_335] {strides = array<i32>} : memref<160x128xf32, #tpu.memory_space<vmem>>, vector<1x16xf32>,
        %get3A_337 = vector.shape_cast %get3A_336 : vector<1x16xf32> to vector<16xf32>
        %mul3A_338 = arith.mulf %get3A_181, %get3A_337 : vector<16xf32>
        %add3A_339 = arith.addf %mul3A_333, %mul3A_338 : vector<16xf32>
        %get3A_340 = arith.index_cast %add3A_328 : i32 to index
        %get3A_341 = arith.constant 32 : index
        %get3A_342 = tpu.vector_load %arg7[%get3A_340, %get3A_341] {strides = array<i32>} : memref<160x128xf32, #tpu.memory_space<vmem>>, vector<1x16xf32>,
        %get3A_343 = vector.shape_cast %get3A_342 : vector<1x16xf32> to vector<16xf32>
        %mul3A_344 = arith.mulf %get3A_185, %get3A_343 : vector<16xf32>
        %add3A_345 = arith.addf %add3A_339, %mul3A_344 : vector<16xf32>
        %get3A_346 = arith.index_cast %add3A_328 : i32 to index
        %get3A_347 = arith.constant 48 : index
        %get3A_348 = tpu.vector_load %arg7[%get3A_346, %get3A_347] {strides = array<i32>} : memref<160x128xf32, #tpu.memory_space<vmem>>, vector<1x16xf32>,
        %get3A_349 = vector.shape_cast %get3A_348 : vector<1x16xf32> to vector<16xf32>
        %mul3A_350 = arith.mulf %get3A_189, %get3A_349 : vector<16xf32>
        %add3A_351 = arith.addf %add3A_345, %mul3A_350 : vector<16xf32>
        %get3A_352 = arith.index_cast %add3A_328 : i32 to index
        %get3A_353 = arith.constant 64 : index
        %get3A_354 = tpu.vector_load %arg7[%get3A_352, %get3A_353] {strides = array<i32>} : memref<160x128xf32, #tpu.memory_space<vmem>>, vector<1x16xf32>,
        %get3A_355 = vector.shape_cast %get3A_354 : vector<1x16xf32> to vector<16xf32>
        %mul3A_356 = arith.mulf %get3A_193, %get3A_355 : vector<16xf32>
        %add3A_357 = arith.addf %add3A_351, %mul3A_356 : vector<16xf32>
        %get3A_358 = arith.index_cast %add3A_328 : i32 to index
        %get3A_359 = arith.constant 80 : index
        %get3A_360 = tpu.vector_load %arg7[%get3A_358, %get3A_359] {strides = array<i32>} : memref<160x128xf32, #tpu.memory_space<vmem>>, vector<1x16xf32>,
        %get3A_361 = vector.shape_cast %get3A_360 : vector<1x16xf32> to vector<16xf32>
        %mul3A_362 = arith.mulf %get3A_197, %get3A_361 : vector<16xf32>
        %add3A_363 = arith.addf %add3A_357, %mul3A_362 : vector<16xf32>
        %get3A_364 = arith.index_cast %add3A_328 : i32 to index
        %get3A_365 = arith.constant 96 : index
        %get3A_366 = tpu.vector_load %arg7[%get3A_364, %get3A_365] {strides = array<i32>} : memref<160x128xf32, #tpu.memory_space<vmem>>, vector<1x16xf32>,
        %get3A_367 = vector.shape_cast %get3A_366 : vector<1x16xf32> to vector<16xf32>
        %mul3A_368 = arith.mulf %get3A_201, %get3A_367 : vector<16xf32>
        %add3A_369 = arith.addf %add3A_363, %mul3A_368 : vector<16xf32>
        %get3A_370 = arith.index_cast %add3A_328 : i32 to index
        %get3A_371 = arith.constant 112 : index
        %get3A_372 = tpu.vector_load %arg7[%get3A_370, %get3A_371] {strides = array<i32>} : memref<160x128xf32, #tpu.memory_space<vmem>>, vector<1x16xf32>,
        %get3A_373 = vector.shape_cast %get3A_372 : vector<1x16xf32> to vector<16xf32>
        %mul3A_374 = arith.mulf %get3A_205, %get3A_373 : vector<16xf32>
        %add3A_375 = arith.addf %add3A_369, %mul3A_374 : vector<16xf32>
        %mul3A_376 = arith.constant 9 : i32
        %mul3A_377 = arith.muli %add3A_172, %mul3A_376 : i32
        %add3A_378 = arith.constant 2 : i32
        %add3A_379 = arith.addi %mul3A_377, %add3A_378 : i32
        %swap3A_380 = arith.index_cast %add3A_379 : i32 to index
        %swap3A_381 = arith.constant 0 : index
        %swap3A_382 = tpu.vector_load %arg9[%swap3A_380, %swap3A_381] {strides = array<i32>} : memref<144x16xf32, #tpu.memory_space<vmem>>, vector<1x16xf32>,
        %swap3A_383 = vector.shape_cast %swap3A_382 : vector<1x16xf32> to vector<16xf32>
        %swap3A_384 = vector.shape_cast %add3A_375 : vector<16xf32> to vector<1x16xf32>
        tpu.vector_store %arg9[%swap3A_380, %swap3A_381], %swap3A_384 {strides = array<i32>} : memref<144x16xf32, #tpu.memory_space<vmem>>, vector<1x16xf32>,
        %add3A_385 = arith.constant 1 : i32
        %add3A_386 = arith.addi %mul3A_174, %add3A_385 : i32
        %add3A_387 = arith.constant 3 : i32
        %add3A_388 = arith.addi %add3A_386, %add3A_387 : i32
        %get3A_389 = arith.index_cast %add3A_388 : i32 to index
        %get3A_390 = arith.constant 0 : index
        %get3A_391 = tpu.vector_load %arg7[%get3A_389, %get3A_390] {strides = array<i32>} : memref<160x128xf32, #tpu.memory_space<vmem>>, vector<1x16xf32>,
        %get3A_392 = vector.shape_cast %get3A_391 : vector<1x16xf32> to vector<16xf32>
        %mul3A_393 = arith.mulf %get3A_177, %get3A_392 : vector<16xf32>
        %get3A_394 = arith.index_cast %add3A_388 : i32 to index
        %get3A_395 = arith.constant 16 : index
        %get3A_396 = tpu.vector_load %arg7[%get3A_394, %get3A_395] {strides = array<i32>} : memref<160x128xf32, #tpu.memory_space<vmem>>, vector<1x16xf32>,
        %get3A_397 = vector.shape_cast %get3A_396 : vector<1x16xf32> to vector<16xf32>
        %mul3A_398 = arith.mulf %get3A_181, %get3A_397 : vector<16xf32>
        %add3A_399 = arith.addf %mul3A_393, %mul3A_398 : vector<16xf32>
        %get3A_400 = arith.index_cast %add3A_388 : i32 to index
        %get3A_401 = arith.constant 32 : index
        %get3A_402 = tpu.vector_load %arg7[%get3A_400, %get3A_401] {strides = array<i32>} : memref<160x128xf32, #tpu.memory_space<vmem>>, vector<1x16xf32>,
        %get3A_403 = vector.shape_cast %get3A_402 : vector<1x16xf32> to vector<16xf32>
        %mul3A_404 = arith.mulf %get3A_185, %get3A_403 : vector<16xf32>
        %add3A_405 = arith.addf %add3A_399, %mul3A_404 : vector<16xf32>
        %get3A_406 = arith.index_cast %add3A_388 : i32 to index
        %get3A_407 = arith.constant 48 : index
        %get3A_408 = tpu.vector_load %arg7[%get3A_406, %get3A_407] {strides = array<i32>} : memref<160x128xf32, #tpu.memory_space<vmem>>, vector<1x16xf32>,
        %get3A_409 = vector.shape_cast %get3A_408 : vector<1x16xf32> to vector<16xf32>
        %mul3A_410 = arith.mulf %get3A_189, %get3A_409 : vector<16xf32>
        %add3A_411 = arith.addf %add3A_405, %mul3A_410 : vector<16xf32>
        %get3A_412 = arith.index_cast %add3A_388 : i32 to index
        %get3A_413 = arith.constant 64 : index
        %get3A_414 = tpu.vector_load %arg7[%get3A_412, %get3A_413] {strides = array<i32>} : memref<160x128xf32, #tpu.memory_space<vmem>>, vector<1x16xf32>,
        %get3A_415 = vector.shape_cast %get3A_414 : vector<1x16xf32> to vector<16xf32>
        %mul3A_416 = arith.mulf %get3A_193, %get3A_415 : vector<16xf32>
        %add3A_417 = arith.addf %add3A_411, %mul3A_416 : vector<16xf32>
        %get3A_418 = arith.index_cast %add3A_388 : i32 to index
        %get3A_419 = arith.constant 80 : index
        %get3A_420 = tpu.vector_load %arg7[%get3A_418, %get3A_419] {strides = array<i32>} : memref<160x128xf32, #tpu.memory_space<vmem>>, vector<1x16xf32>,
        %get3A_421 = vector.shape_cast %get3A_420 : vector<1x16xf32> to vector<16xf32>
        %mul3A_422 = arith.mulf %get3A_197, %get3A_421 : vector<16xf32>
        %add3A_423 = arith.addf %add3A_417, %mul3A_422 : vector<16xf32>
        %get3A_424 = arith.index_cast %add3A_388 : i32 to index
        %get3A_425 = arith.constant 96 : index
        %get3A_426 = tpu.vector_load %arg7[%get3A_424, %get3A_425] {strides = array<i32>} : memref<160x128xf32, #tpu.memory_space<vmem>>, vector<1x16xf32>,
        %get3A_427 = vector.shape_cast %get3A_426 : vector<1x16xf32> to vector<16xf32>
        %mul3A_428 = arith.mulf %get3A_201, %get3A_427 : vector<16xf32>
        %add3A_429 = arith.addf %add3A_423, %mul3A_428 : vector<16xf32>
        %get3A_430 = arith.index_cast %add3A_388 : i32 to index
        %get3A_431 = arith.constant 112 : index
        %get3A_432 = tpu.vector_load %arg7[%get3A_430, %get3A_431] {strides = array<i32>} : memref<160x128xf32, #tpu.memory_space<vmem>>, vector<1x16xf32>,
        %get3A_433 = vector.shape_cast %get3A_432 : vector<1x16xf32> to vector<16xf32>
        %mul3A_434 = arith.mulf %get3A_205, %get3A_433 : vector<16xf32>
        %add3A_435 = arith.addf %add3A_429, %mul3A_434 : vector<16xf32>
        %mul3A_436 = arith.constant 9 : i32
        %mul3A_437 = arith.muli %add3A_172, %mul3A_436 : i32
        %add3A_438 = arith.constant 3 : i32
        %add3A_439 = arith.addi %mul3A_437, %add3A_438 : i32
        %swap3A_440 = arith.index_cast %add3A_439 : i32 to index
        %swap3A_441 = arith.constant 0 : index
        %swap3A_442 = tpu.vector_load %arg9[%swap3A_440, %swap3A_441] {strides = array<i32>} : memref<144x16xf32, #tpu.memory_space<vmem>>, vector<1x16xf32>,
        %swap3A_443 = vector.shape_cast %swap3A_442 : vector<1x16xf32> to vector<16xf32>
        %swap3A_444 = vector.shape_cast %add3A_435 : vector<16xf32> to vector<1x16xf32>
        tpu.vector_store %arg9[%swap3A_440, %swap3A_441], %swap3A_444 {strides = array<i32>} : memref<144x16xf32, #tpu.memory_space<vmem>>, vector<1x16xf32>,
        %add3A_445 = arith.constant 1 : i32
        %add3A_446 = arith.addi %mul3A_174, %add3A_445 : i32
        %add3A_447 = arith.constant 4 : i32
        %add3A_448 = arith.addi %add3A_446, %add3A_447 : i32
        %get3A_449 = arith.index_cast %add3A_448 : i32 to index
        %get3A_450 = arith.constant 0 : index
        %get3A_451 = tpu.vector_load %arg7[%get3A_449, %get3A_450] {strides = array<i32>} : memref<160x128xf32, #tpu.memory_space<vmem>>, vector<1x16xf32>,
        %get3A_452 = vector.shape_cast %get3A_451 : vector<1x16xf32> to vector<16xf32>
        %mul3A_453 = arith.mulf %get3A_177, %get3A_452 : vector<16xf32>
        %get3A_454 = arith.index_cast %add3A_448 : i32 to index
        %get3A_455 = arith.constant 16 : index
        %get3A_456 = tpu.vector_load %arg7[%get3A_454, %get3A_455] {strides = array<i32>} : memref<160x128xf32, #tpu.memory_space<vmem>>, vector<1x16xf32>,
        %get3A_457 = vector.shape_cast %get3A_456 : vector<1x16xf32> to vector<16xf32>
        %mul3A_458 = arith.mulf %get3A_181, %get3A_457 : vector<16xf32>
        %add3A_459 = arith.addf %mul3A_453, %mul3A_458 : vector<16xf32>
        %get3A_460 = arith.index_cast %add3A_448 : i32 to index
        %get3A_461 = arith.constant 32 : index
        %get3A_462 = tpu.vector_load %arg7[%get3A_460, %get3A_461] {strides = array<i32>} : memref<160x128xf32, #tpu.memory_space<vmem>>, vector<1x16xf32>,
        %get3A_463 = vector.shape_cast %get3A_462 : vector<1x16xf32> to vector<16xf32>
        %mul3A_464 = arith.mulf %get3A_185, %get3A_463 : vector<16xf32>
        %add3A_465 = arith.addf %add3A_459, %mul3A_464 : vector<16xf32>
        %get3A_466 = arith.index_cast %add3A_448 : i32 to index
        %get3A_467 = arith.constant 48 : index
        %get3A_468 = tpu.vector_load %arg7[%get3A_466, %get3A_467] {strides = array<i32>} : memref<160x128xf32, #tpu.memory_space<vmem>>, vector<1x16xf32>,
        %get3A_469 = vector.shape_cast %get3A_468 : vector<1x16xf32> to vector<16xf32>
        %mul3A_470 = arith.mulf %get3A_189, %get3A_469 : vector<16xf32>
        %add3A_471 = arith.addf %add3A_465, %mul3A_470 : vector<16xf32>
        %get3A_472 = arith.index_cast %add3A_448 : i32 to index
        %get3A_473 = arith.constant 64 : index
        %get3A_474 = tpu.vector_load %arg7[%get3A_472, %get3A_473] {strides = array<i32>} : memref<160x128xf32, #tpu.memory_space<vmem>>, vector<1x16xf32>,
        %get3A_475 = vector.shape_cast %get3A_474 : vector<1x16xf32> to vector<16xf32>
        %mul3A_476 = arith.mulf %get3A_193, %get3A_475 : vector<16xf32>
        %add3A_477 = arith.addf %add3A_471, %mul3A_476 : vector<16xf32>
        %get3A_478 = arith.index_cast %add3A_448 : i32 to index
        %get3A_479 = arith.constant 80 : index
        %get3A_480 = tpu.vector_load %arg7[%get3A_478, %get3A_479] {strides = array<i32>} : memref<160x128xf32, #tpu.memory_space<vmem>>, vector<1x16xf32>,
        %get3A_481 = vector.shape_cast %get3A_480 : vector<1x16xf32> to vector<16xf32>
        %mul3A_482 = arith.mulf %get3A_197, %get3A_481 : vector<16xf32>
        %add3A_483 = arith.addf %add3A_477, %mul3A_482 : vector<16xf32>
        %get3A_484 = arith.index_cast %add3A_448 : i32 to index
        %get3A_485 = arith.constant 96 : index
        %get3A_486 = tpu.vector_load %arg7[%get3A_484, %get3A_485] {strides = array<i32>} : memref<160x128xf32, #tpu.memory_space<vmem>>, vector<1x16xf32>,
        %get3A_487 = vector.shape_cast %get3A_486 : vector<1x16xf32> to vector<16xf32>
        %mul3A_488 = arith.mulf %get3A_201, %get3A_487 : vector<16xf32>
        %add3A_489 = arith.addf %add3A_483, %mul3A_488 : vector<16xf32>
        %get3A_490 = arith.index_cast %add3A_448 : i32 to index
        %get3A_491 = arith.constant 112 : index
        %get3A_492 = tpu.vector_load %arg7[%get3A_490, %get3A_491] {strides = array<i32>} : memref<160x128xf32, #tpu.memory_space<vmem>>, vector<1x16xf32>,
        %get3A_493 = vector.shape_cast %get3A_492 : vector<1x16xf32> to vector<16xf32>
        %mul3A_494 = arith.mulf %get3A_205, %get3A_493 : vector<16xf32>
        %add3A_495 = arith.addf %add3A_489, %mul3A_494 : vector<16xf32>
        %mul3A_496 = arith.constant 9 : i32
        %mul3A_497 = arith.muli %add3A_172, %mul3A_496 : i32
        %add3A_498 = arith.constant 4 : i32
        %add3A_499 = arith.addi %mul3A_497, %add3A_498 : i32
        %swap3A_500 = arith.index_cast %add3A_499 : i32 to index
        %swap3A_501 = arith.constant 0 : index
        %swap3A_502 = tpu.vector_load %arg9[%swap3A_500, %swap3A_501] {strides = array<i32>} : memref<144x16xf32, #tpu.memory_space<vmem>>, vector<1x16xf32>,
        %swap3A_503 = vector.shape_cast %swap3A_502 : vector<1x16xf32> to vector<16xf32>
        %swap3A_504 = vector.shape_cast %add3A_495 : vector<16xf32> to vector<1x16xf32>
        tpu.vector_store %arg9[%swap3A_500, %swap3A_501], %swap3A_504 {strides = array<i32>} : memref<144x16xf32, #tpu.memory_space<vmem>>, vector<1x16xf32>,
        %add3A_505 = arith.constant 1 : i32
        %add3A_506 = arith.addi %mul3A_174, %add3A_505 : i32
        %add3A_507 = arith.constant 5 : i32
        %add3A_508 = arith.addi %add3A_506, %add3A_507 : i32
        %get3A_509 = arith.index_cast %add3A_508 : i32 to index
        %get3A_510 = arith.constant 0 : index
        %get3A_511 = tpu.vector_load %arg7[%get3A_509, %get3A_510] {strides = array<i32>} : memref<160x128xf32, #tpu.memory_space<vmem>>, vector<1x16xf32>,
        %get3A_512 = vector.shape_cast %get3A_511 : vector<1x16xf32> to vector<16xf32>
        %mul3A_513 = arith.mulf %get3A_177, %get3A_512 : vector<16xf32>
        %get3A_514 = arith.index_cast %add3A_508 : i32 to index
        %get3A_515 = arith.constant 16 : index
        %get3A_516 = tpu.vector_load %arg7[%get3A_514, %get3A_515] {strides = array<i32>} : memref<160x128xf32, #tpu.memory_space<vmem>>, vector<1x16xf32>,
        %get3A_517 = vector.shape_cast %get3A_516 : vector<1x16xf32> to vector<16xf32>
        %mul3A_518 = arith.mulf %get3A_181, %get3A_517 : vector<16xf32>
        %add3A_519 = arith.addf %mul3A_513, %mul3A_518 : vector<16xf32>
        %get3A_520 = arith.index_cast %add3A_508 : i32 to index
        %get3A_521 = arith.constant 32 : index
        %get3A_522 = tpu.vector_load %arg7[%get3A_520, %get3A_521] {strides = array<i32>} : memref<160x128xf32, #tpu.memory_space<vmem>>, vector<1x16xf32>,
        %get3A_523 = vector.shape_cast %get3A_522 : vector<1x16xf32> to vector<16xf32>
        %mul3A_524 = arith.mulf %get3A_185, %get3A_523 : vector<16xf32>
        %add3A_525 = arith.addf %add3A_519, %mul3A_524 : vector<16xf32>
        %get3A_526 = arith.index_cast %add3A_508 : i32 to index
        %get3A_527 = arith.constant 48 : index
        %get3A_528 = tpu.vector_load %arg7[%get3A_526, %get3A_527] {strides = array<i32>} : memref<160x128xf32, #tpu.memory_space<vmem>>, vector<1x16xf32>,
        %get3A_529 = vector.shape_cast %get3A_528 : vector<1x16xf32> to vector<16xf32>
        %mul3A_530 = arith.mulf %get3A_189, %get3A_529 : vector<16xf32>
        %add3A_531 = arith.addf %add3A_525, %mul3A_530 : vector<16xf32>
        %get3A_532 = arith.index_cast %add3A_508 : i32 to index
        %get3A_533 = arith.constant 64 : index
        %get3A_534 = tpu.vector_load %arg7[%get3A_532, %get3A_533] {strides = array<i32>} : memref<160x128xf32, #tpu.memory_space<vmem>>, vector<1x16xf32>,
        %get3A_535 = vector.shape_cast %get3A_534 : vector<1x16xf32> to vector<16xf32>
        %mul3A_536 = arith.mulf %get3A_193, %get3A_535 : vector<16xf32>
        %add3A_537 = arith.addf %add3A_531, %mul3A_536 : vector<16xf32>
        %get3A_538 = arith.index_cast %add3A_508 : i32 to index
        %get3A_539 = arith.constant 80 : index
        %get3A_540 = tpu.vector_load %arg7[%get3A_538, %get3A_539] {strides = array<i32>} : memref<160x128xf32, #tpu.memory_space<vmem>>, vector<1x16xf32>,
        %get3A_541 = vector.shape_cast %get3A_540 : vector<1x16xf32> to vector<16xf32>
        %mul3A_542 = arith.mulf %get3A_197, %get3A_541 : vector<16xf32>
        %add3A_543 = arith.addf %add3A_537, %mul3A_542 : vector<16xf32>
        %get3A_544 = arith.index_cast %add3A_508 : i32 to index
        %get3A_545 = arith.constant 96 : index
        %get3A_546 = tpu.vector_load %arg7[%get3A_544, %get3A_545] {strides = array<i32>} : memref<160x128xf32, #tpu.memory_space<vmem>>, vector<1x16xf32>,
        %get3A_547 = vector.shape_cast %get3A_546 : vector<1x16xf32> to vector<16xf32>
        %mul3A_548 = arith.mulf %get3A_201, %get3A_547 : vector<16xf32>
        %add3A_549 = arith.addf %add3A_543, %mul3A_548 : vector<16xf32>
        %get3A_550 = arith.index_cast %add3A_508 : i32 to index
        %get3A_551 = arith.constant 112 : index
        %get3A_552 = tpu.vector_load %arg7[%get3A_550, %get3A_551] {strides = array<i32>} : memref<160x128xf32, #tpu.memory_space<vmem>>, vector<1x16xf32>,
        %get3A_553 = vector.shape_cast %get3A_552 : vector<1x16xf32> to vector<16xf32>
        %mul3A_554 = arith.mulf %get3A_205, %get3A_553 : vector<16xf32>
        %add3A_555 = arith.addf %add3A_549, %mul3A_554 : vector<16xf32>
        %mul3A_556 = arith.constant 9 : i32
        %mul3A_557 = arith.muli %add3A_172, %mul3A_556 : i32
        %add3A_558 = arith.constant 5 : i32
        %add3A_559 = arith.addi %mul3A_557, %add3A_558 : i32
        %swap3A_560 = arith.index_cast %add3A_559 : i32 to index
        %swap3A_561 = arith.constant 0 : index
        %swap3A_562 = tpu.vector_load %arg9[%swap3A_560, %swap3A_561] {strides = array<i32>} : memref<144x16xf32, #tpu.memory_space<vmem>>, vector<1x16xf32>,
        %swap3A_563 = vector.shape_cast %swap3A_562 : vector<1x16xf32> to vector<16xf32>
        %swap3A_564 = vector.shape_cast %add3A_555 : vector<16xf32> to vector<1x16xf32>
        tpu.vector_store %arg9[%swap3A_560, %swap3A_561], %swap3A_564 {strides = array<i32>} : memref<144x16xf32, #tpu.memory_space<vmem>>, vector<1x16xf32>,
        %add3A_565 = arith.constant 1 : i32
        %add3A_566 = arith.addi %mul3A_174, %add3A_565 : i32
        %add3A_567 = arith.constant 6 : i32
        %add3A_568 = arith.addi %add3A_566, %add3A_567 : i32
        %get3A_569 = arith.index_cast %add3A_568 : i32 to index
        %get3A_570 = arith.constant 0 : index
        %get3A_571 = tpu.vector_load %arg7[%get3A_569, %get3A_570] {strides = array<i32>} : memref<160x128xf32, #tpu.memory_space<vmem>>, vector<1x16xf32>,
        %get3A_572 = vector.shape_cast %get3A_571 : vector<1x16xf32> to vector<16xf32>
        %mul3A_573 = arith.mulf %get3A_177, %get3A_572 : vector<16xf32>
        %get3A_574 = arith.index_cast %add3A_568 : i32 to index
        %get3A_575 = arith.constant 16 : index
        %get3A_576 = tpu.vector_load %arg7[%get3A_574, %get3A_575] {strides = array<i32>} : memref<160x128xf32, #tpu.memory_space<vmem>>, vector<1x16xf32>,
        %get3A_577 = vector.shape_cast %get3A_576 : vector<1x16xf32> to vector<16xf32>
        %mul3A_578 = arith.mulf %get3A_181, %get3A_577 : vector<16xf32>
        %add3A_579 = arith.addf %mul3A_573, %mul3A_578 : vector<16xf32>
        %get3A_580 = arith.index_cast %add3A_568 : i32 to index
        %get3A_581 = arith.constant 32 : index
        %get3A_582 = tpu.vector_load %arg7[%get3A_580, %get3A_581] {strides = array<i32>} : memref<160x128xf32, #tpu.memory_space<vmem>>, vector<1x16xf32>,
        %get3A_583 = vector.shape_cast %get3A_582 : vector<1x16xf32> to vector<16xf32>
        %mul3A_584 = arith.mulf %get3A_185, %get3A_583 : vector<16xf32>
        %add3A_585 = arith.addf %add3A_579, %mul3A_584 : vector<16xf32>
        %get3A_586 = arith.index_cast %add3A_568 : i32 to index
        %get3A_587 = arith.constant 48 : index
        %get3A_588 = tpu.vector_load %arg7[%get3A_586, %get3A_587] {strides = array<i32>} : memref<160x128xf32, #tpu.memory_space<vmem>>, vector<1x16xf32>,
        %get3A_589 = vector.shape_cast %get3A_588 : vector<1x16xf32> to vector<16xf32>
        %mul3A_590 = arith.mulf %get3A_189, %get3A_589 : vector<16xf32>
        %add3A_591 = arith.addf %add3A_585, %mul3A_590 : vector<16xf32>
        %get3A_592 = arith.index_cast %add3A_568 : i32 to index
        %get3A_593 = arith.constant 64 : index
        %get3A_594 = tpu.vector_load %arg7[%get3A_592, %get3A_593] {strides = array<i32>} : memref<160x128xf32, #tpu.memory_space<vmem>>, vector<1x16xf32>,
        %get3A_595 = vector.shape_cast %get3A_594 : vector<1x16xf32> to vector<16xf32>
        %mul3A_596 = arith.mulf %get3A_193, %get3A_595 : vector<16xf32>
        %add3A_597 = arith.addf %add3A_591, %mul3A_596 : vector<16xf32>
        %get3A_598 = arith.index_cast %add3A_568 : i32 to index
        %get3A_599 = arith.constant 80 : index
        %get3A_600 = tpu.vector_load %arg7[%get3A_598, %get3A_599] {strides = array<i32>} : memref<160x128xf32, #tpu.memory_space<vmem>>, vector<1x16xf32>,
        %get3A_601 = vector.shape_cast %get3A_600 : vector<1x16xf32> to vector<16xf32>
        %mul3A_602 = arith.mulf %get3A_197, %get3A_601 : vector<16xf32>
        %add3A_603 = arith.addf %add3A_597, %mul3A_602 : vector<16xf32>
        %get3A_604 = arith.index_cast %add3A_568 : i32 to index
        %get3A_605 = arith.constant 96 : index
        %get3A_606 = tpu.vector_load %arg7[%get3A_604, %get3A_605] {strides = array<i32>} : memref<160x128xf32, #tpu.memory_space<vmem>>, vector<1x16xf32>,
        %get3A_607 = vector.shape_cast %get3A_606 : vector<1x16xf32> to vector<16xf32>
        %mul3A_608 = arith.mulf %get3A_201, %get3A_607 : vector<16xf32>
        %add3A_609 = arith.addf %add3A_603, %mul3A_608 : vector<16xf32>
        %get3A_610 = arith.index_cast %add3A_568 : i32 to index
        %get3A_611 = arith.constant 112 : index
        %get3A_612 = tpu.vector_load %arg7[%get3A_610, %get3A_611] {strides = array<i32>} : memref<160x128xf32, #tpu.memory_space<vmem>>, vector<1x16xf32>,
        %get3A_613 = vector.shape_cast %get3A_612 : vector<1x16xf32> to vector<16xf32>
        %mul3A_614 = arith.mulf %get3A_205, %get3A_613 : vector<16xf32>
        %add3A_615 = arith.addf %add3A_609, %mul3A_614 : vector<16xf32>
        %mul3A_616 = arith.constant 9 : i32
        %mul3A_617 = arith.muli %add3A_172, %mul3A_616 : i32
        %add3A_618 = arith.constant 6 : i32
        %add3A_619 = arith.addi %mul3A_617, %add3A_618 : i32
        %swap3A_620 = arith.index_cast %add3A_619 : i32 to index
        %swap3A_621 = arith.constant 0 : index
        %swap3A_622 = tpu.vector_load %arg9[%swap3A_620, %swap3A_621] {strides = array<i32>} : memref<144x16xf32, #tpu.memory_space<vmem>>, vector<1x16xf32>,
        %swap3A_623 = vector.shape_cast %swap3A_622 : vector<1x16xf32> to vector<16xf32>
        %swap3A_624 = vector.shape_cast %add3A_615 : vector<16xf32> to vector<1x16xf32>
        tpu.vector_store %arg9[%swap3A_620, %swap3A_621], %swap3A_624 {strides = array<i32>} : memref<144x16xf32, #tpu.memory_space<vmem>>, vector<1x16xf32>,
        %add3A_625 = arith.constant 1 : i32
        %add3A_626 = arith.addi %mul3A_174, %add3A_625 : i32
        %add3A_627 = arith.constant 7 : i32
        %add3A_628 = arith.addi %add3A_626, %add3A_627 : i32
        %get3A_629 = arith.index_cast %add3A_628 : i32 to index
        %get3A_630 = arith.constant 0 : index
        %get3A_631 = tpu.vector_load %arg7[%get3A_629, %get3A_630] {strides = array<i32>} : memref<160x128xf32, #tpu.memory_space<vmem>>, vector<1x16xf32>,
        %get3A_632 = vector.shape_cast %get3A_631 : vector<1x16xf32> to vector<16xf32>
        %mul3A_633 = arith.mulf %get3A_177, %get3A_632 : vector<16xf32>
        %get3A_634 = arith.index_cast %add3A_628 : i32 to index
        %get3A_635 = arith.constant 16 : index
        %get3A_636 = tpu.vector_load %arg7[%get3A_634, %get3A_635] {strides = array<i32>} : memref<160x128xf32, #tpu.memory_space<vmem>>, vector<1x16xf32>,
        %get3A_637 = vector.shape_cast %get3A_636 : vector<1x16xf32> to vector<16xf32>
        %mul3A_638 = arith.mulf %get3A_181, %get3A_637 : vector<16xf32>
        %add3A_639 = arith.addf %mul3A_633, %mul3A_638 : vector<16xf32>
        %get3A_640 = arith.index_cast %add3A_628 : i32 to index
        %get3A_641 = arith.constant 32 : index
        %get3A_642 = tpu.vector_load %arg7[%get3A_640, %get3A_641] {strides = array<i32>} : memref<160x128xf32, #tpu.memory_space<vmem>>, vector<1x16xf32>,
        %get3A_643 = vector.shape_cast %get3A_642 : vector<1x16xf32> to vector<16xf32>
        %mul3A_644 = arith.mulf %get3A_185, %get3A_643 : vector<16xf32>
        %add3A_645 = arith.addf %add3A_639, %mul3A_644 : vector<16xf32>
        %get3A_646 = arith.index_cast %add3A_628 : i32 to index
        %get3A_647 = arith.constant 48 : index
        %get3A_648 = tpu.vector_load %arg7[%get3A_646, %get3A_647] {strides = array<i32>} : memref<160x128xf32, #tpu.memory_space<vmem>>, vector<1x16xf32>,
        %get3A_649 = vector.shape_cast %get3A_648 : vector<1x16xf32> to vector<16xf32>
        %mul3A_650 = arith.mulf %get3A_189, %get3A_649 : vector<16xf32>
        %add3A_651 = arith.addf %add3A_645, %mul3A_650 : vector<16xf32>
        %get3A_652 = arith.index_cast %add3A_628 : i32 to index
        %get3A_653 = arith.constant 64 : index
        %get3A_654 = tpu.vector_load %arg7[%get3A_652, %get3A_653] {strides = array<i32>} : memref<160x128xf32, #tpu.memory_space<vmem>>, vector<1x16xf32>,
        %get3A_655 = vector.shape_cast %get3A_654 : vector<1x16xf32> to vector<16xf32>
        %mul3A_656 = arith.mulf %get3A_193, %get3A_655 : vector<16xf32>
        %add3A_657 = arith.addf %add3A_651, %mul3A_656 : vector<16xf32>
        %get3A_658 = arith.index_cast %add3A_628 : i32 to index
        %get3A_659 = arith.constant 80 : index
        %get3A_660 = tpu.vector_load %arg7[%get3A_658, %get3A_659] {strides = array<i32>} : memref<160x128xf32, #tpu.memory_space<vmem>>, vector<1x16xf32>,
        %get3A_661 = vector.shape_cast %get3A_660 : vector<1x16xf32> to vector<16xf32>
        %mul3A_662 = arith.mulf %get3A_197, %get3A_661 : vector<16xf32>
        %add3A_663 = arith.addf %add3A_657, %mul3A_662 : vector<16xf32>
        %get3A_664 = arith.index_cast %add3A_628 : i32 to index
        %get3A_665 = arith.constant 96 : index
        %get3A_666 = tpu.vector_load %arg7[%get3A_664, %get3A_665] {strides = array<i32>} : memref<160x128xf32, #tpu.memory_space<vmem>>, vector<1x16xf32>,
        %get3A_667 = vector.shape_cast %get3A_666 : vector<1x16xf32> to vector<16xf32>
        %mul3A_668 = arith.mulf %get3A_201, %get3A_667 : vector<16xf32>
        %add3A_669 = arith.addf %add3A_663, %mul3A_668 : vector<16xf32>
        %get3A_670 = arith.index_cast %add3A_628 : i32 to index
        %get3A_671 = arith.constant 112 : index
        %get3A_672 = tpu.vector_load %arg7[%get3A_670, %get3A_671] {strides = array<i32>} : memref<160x128xf32, #tpu.memory_space<vmem>>, vector<1x16xf32>,
        %get3A_673 = vector.shape_cast %get3A_672 : vector<1x16xf32> to vector<16xf32>
        %mul3A_674 = arith.mulf %get3A_205, %get3A_673 : vector<16xf32>
        %add3A_675 = arith.addf %add3A_669, %mul3A_674 : vector<16xf32>
        %mul3A_676 = arith.constant 9 : i32
        %mul3A_677 = arith.muli %add3A_172, %mul3A_676 : i32
        %add3A_678 = arith.constant 7 : i32
        %add3A_679 = arith.addi %mul3A_677, %add3A_678 : i32
        %swap3A_680 = arith.index_cast %add3A_679 : i32 to index
        %swap3A_681 = arith.constant 0 : index
        %swap3A_682 = tpu.vector_load %arg9[%swap3A_680, %swap3A_681] {strides = array<i32>} : memref<144x16xf32, #tpu.memory_space<vmem>>, vector<1x16xf32>,
        %swap3A_683 = vector.shape_cast %swap3A_682 : vector<1x16xf32> to vector<16xf32>
        %swap3A_684 = vector.shape_cast %add3A_675 : vector<16xf32> to vector<1x16xf32>
        tpu.vector_store %arg9[%swap3A_680, %swap3A_681], %swap3A_684 {strides = array<i32>} : memref<144x16xf32, #tpu.memory_space<vmem>>, vector<1x16xf32>,
        %add3A_685 = arith.constant 1 : i32
        %add3A_686 = arith.addi %mul3A_174, %add3A_685 : i32
        %add3A_687 = arith.constant 8 : i32
        %add3A_688 = arith.addi %add3A_686, %add3A_687 : i32
        %get3A_689 = arith.index_cast %add3A_688 : i32 to index
        %get3A_690 = arith.constant 0 : index
        %get3A_691 = tpu.vector_load %arg7[%get3A_689, %get3A_690] {strides = array<i32>} : memref<160x128xf32, #tpu.memory_space<vmem>>, vector<1x16xf32>,
        %get3A_692 = vector.shape_cast %get3A_691 : vector<1x16xf32> to vector<16xf32>
        %mul3A_693 = arith.mulf %get3A_177, %get3A_692 : vector<16xf32>
        %get3A_694 = arith.index_cast %add3A_688 : i32 to index
        %get3A_695 = arith.constant 16 : index
        %get3A_696 = tpu.vector_load %arg7[%get3A_694, %get3A_695] {strides = array<i32>} : memref<160x128xf32, #tpu.memory_space<vmem>>, vector<1x16xf32>,
        %get3A_697 = vector.shape_cast %get3A_696 : vector<1x16xf32> to vector<16xf32>
        %mul3A_698 = arith.mulf %get3A_181, %get3A_697 : vector<16xf32>
        %add3A_699 = arith.addf %mul3A_693, %mul3A_698 : vector<16xf32>
        %get3A_700 = arith.index_cast %add3A_688 : i32 to index
        %get3A_701 = arith.constant 32 : index
        %get3A_702 = tpu.vector_load %arg7[%get3A_700, %get3A_701] {strides = array<i32>} : memref<160x128xf32, #tpu.memory_space<vmem>>, vector<1x16xf32>,
        %get3A_703 = vector.shape_cast %get3A_702 : vector<1x16xf32> to vector<16xf32>
        %mul3A_704 = arith.mulf %get3A_185, %get3A_703 : vector<16xf32>
        %add3A_705 = arith.addf %add3A_699, %mul3A_704 : vector<16xf32>
        %get3A_706 = arith.index_cast %add3A_688 : i32 to index
        %get3A_707 = arith.constant 48 : index
        %get3A_708 = tpu.vector_load %arg7[%get3A_706, %get3A_707] {strides = array<i32>} : memref<160x128xf32, #tpu.memory_space<vmem>>, vector<1x16xf32>,
        %get3A_709 = vector.shape_cast %get3A_708 : vector<1x16xf32> to vector<16xf32>
        %mul3A_710 = arith.mulf %get3A_189, %get3A_709 : vector<16xf32>
        %add3A_711 = arith.addf %add3A_705, %mul3A_710 : vector<16xf32>
        %get3A_712 = arith.index_cast %add3A_688 : i32 to index
        %get3A_713 = arith.constant 64 : index
        %get3A_714 = tpu.vector_load %arg7[%get3A_712, %get3A_713] {strides = array<i32>} : memref<160x128xf32, #tpu.memory_space<vmem>>, vector<1x16xf32>,
        %get3A_715 = vector.shape_cast %get3A_714 : vector<1x16xf32> to vector<16xf32>
        %mul3A_716 = arith.mulf %get3A_193, %get3A_715 : vector<16xf32>
        %add3A_717 = arith.addf %add3A_711, %mul3A_716 : vector<16xf32>
        %get3A_718 = arith.index_cast %add3A_688 : i32 to index
        %get3A_719 = arith.constant 80 : index
        %get3A_720 = tpu.vector_load %arg7[%get3A_718, %get3A_719] {strides = array<i32>} : memref<160x128xf32, #tpu.memory_space<vmem>>, vector<1x16xf32>,
        %get3A_721 = vector.shape_cast %get3A_720 : vector<1x16xf32> to vector<16xf32>
        %mul3A_722 = arith.mulf %get3A_197, %get3A_721 : vector<16xf32>
        %add3A_723 = arith.addf %add3A_717, %mul3A_722 : vector<16xf32>
        %get3A_724 = arith.index_cast %add3A_688 : i32 to index
        %get3A_725 = arith.constant 96 : index
        %get3A_726 = tpu.vector_load %arg7[%get3A_724, %get3A_725] {strides = array<i32>} : memref<160x128xf32, #tpu.memory_space<vmem>>, vector<1x16xf32>,
        %get3A_727 = vector.shape_cast %get3A_726 : vector<1x16xf32> to vector<16xf32>
        %mul3A_728 = arith.mulf %get3A_201, %get3A_727 : vector<16xf32>
        %add3A_729 = arith.addf %add3A_723, %mul3A_728 : vector<16xf32>
        %get3A_730 = arith.index_cast %add3A_688 : i32 to index
        %get3A_731 = arith.constant 112 : index
        %get3A_732 = tpu.vector_load %arg7[%get3A_730, %get3A_731] {strides = array<i32>} : memref<160x128xf32, #tpu.memory_space<vmem>>, vector<1x16xf32>,
        %get3A_733 = vector.shape_cast %get3A_732 : vector<1x16xf32> to vector<16xf32>
        %mul3A_734 = arith.mulf %get3A_205, %get3A_733 : vector<16xf32>
        %add3A_735 = arith.addf %add3A_729, %mul3A_734 : vector<16xf32>
        %mul3A_736 = arith.constant 9 : i32
        %mul3A_737 = arith.muli %add3A_172, %mul3A_736 : i32
        %add3A_738 = arith.constant 8 : i32
        %add3A_739 = arith.addi %mul3A_737, %add3A_738 : i32
        %swap3A_740 = arith.index_cast %add3A_739 : i32 to index
        %swap3A_741 = arith.constant 0 : index
        %swap3A_742 = tpu.vector_load %arg9[%swap3A_740, %swap3A_741] {strides = array<i32>} : memref<144x16xf32, #tpu.memory_space<vmem>>, vector<1x16xf32>,
        %swap3A_743 = vector.shape_cast %swap3A_742 : vector<1x16xf32> to vector<16xf32>
        %swap3A_744 = vector.shape_cast %add3A_735 : vector<16xf32> to vector<1x16xf32>
        tpu.vector_store %arg9[%swap3A_740, %swap3A_741], %swap3A_744 {strides = array<i32>} : memref<144x16xf32, #tpu.memory_space<vmem>>, vector<1x16xf32>,
      }
      %scan3A_100 = arith.constant 16 : i32
      %add3A_101 = arith.addi %mul3A_2, %add3A_67 : i32
      %mul3A_102 = arith.constant 144 : i32
      %mul3A_103 = arith.muli %add3A_101, %mul3A_102 : i32
      %dma_start3A_104 = arith.constant 0 : i32
      %dma_start3A_105 = tpu.memref_slice %arg4[%mul3A_103, %dma_start3A_104] : memref<1843200x16xf32, #tpu.memory_space<hbm>> -> memref<144x16xf32, #tpu.memory_space<hbm>>
      %dma_start3A_106 = arith.constant 0 : i32
      %dma_start3A_107 = tpu.memref_slice %arg4[%mul3A_103, %dma_start3A_106] : memref<1843200x16xf32, #tpu.memory_space<hbm>> -> memref<144x16xf32, #tpu.memory_space<hbm>>
      tpu.enqueue_dma source(%arg9 : memref<144x16xf32, #tpu.memory_space<vmem>>) target(%dma_start3A_107 : memref<144x16xf32, #tpu.memory_space<hbm>>) target_semaphore(%arg15 : memref<!tpu.dma_semaphore, #tpu.memory_space<semaphore_mem>>)
      %add3A_108 = arith.constant 2 : i32
      %add3A_109 = arith.addi %add3A_67, %add3A_108 : i32
      %lt3A_110 = arith.constant 400 : i32
      %lt3A_111 = arith.cmpi slt, %add3A_109, %lt3A_110 : i32
      %convert_element_type3A_112 = arith.extui %lt3A_111 : i1 to i32
      %cond3A_113 = arith.constant 0 : i32
      %cond3A_114 = arith.cmpi ne, %convert_element_type3A_112, %cond3A_113 : i32
      scf.if %cond3A_114 {
        %add3A_168 = arith.addi %mul3A_2, %add3A_67 : i32
        %add3A_169 = arith.constant 2 : i32
        %add3A_170 = arith.addi %add3A_168, %add3A_169 : i32
        %dma_wait3A_171 = arith.constant 0 : i32
        %dma_wait3A_172 = arith.constant 0 : i32
        %dma_wait3A_173 = tpu.memref_slice %arg3[%add3A_170, %dma_wait3A_171, %dma_wait3A_172] : memref<12800x2x80xi32, #tpu.memory_space<hbm>> -> memref<1x2x80xi32, #tpu.memory_space<hbm>>
        %dma_wait3A_174 = tpu.memref_squeeze %dma_wait3A_173 : memref<1x2x80xi32, #tpu.memory_space<hbm>> -> memref<2x80xi32, #tpu.memory_space<hbm>>
        %dma_wait3A_175 = arith.constant 0 : i32
        %dma_wait3A_176 = arith.constant 0 : i32
        %dma_wait3A_177 = tpu.memref_slice %arg3[%add3A_170, %dma_wait3A_175, %dma_wait3A_176] : memref<12800x2x80xi32, #tpu.memory_space<hbm>> -> memref<1x2x80xi32, #tpu.memory_space<hbm>>
        %dma_wait3A_178 = tpu.memref_squeeze %dma_wait3A_177 : memref<1x2x80xi32, #tpu.memory_space<hbm>> -> memref<2x80xi32, #tpu.memory_space<hbm>>
        tpu.wait_dma2 semaphore(%arg11 : memref<!tpu.dma_semaphore, #tpu.memory_space<semaphore_mem>>) src(%dma_wait3A_178 : memref<2x80xi32, #tpu.memory_space<hbm>>) dst(%arg5 : memref<2x80xi32, #tpu.memory_space<vmem>>)
        %dma_start3A_179 = arith.constant 0 : i32
        %dma_start3A_180 = arith.constant 0 : i32
        %dma_start3A_181 = arith.constant 0 : i32
        %dma_start3A_182 = tpu.memref_slice %arg7[%dma_start3A_180, %dma_start3A_181] : memref<160x128xf32, #tpu.memory_space<vmem>> -> memref<80x128xf32, #tpu.memory_space<vmem>>
        %dma_start3A_183 = arith.constant 0 : i32
        %dma_start3A_184 = tpu.memref_slice %arg5[%dma_start3A_179, %dma_start3A_183] : memref<2x80xi32, #tpu.memory_space<vmem>> -> memref<1x80xi32, #tpu.memory_space<vmem>>
        %dma_start3A_185 = tpu.memref_squeeze %dma_start3A_184 : memref<1x80xi32, #tpu.memory_space<vmem>> -> memref<80xi32, #tpu.memory_space<vmem>>
        %dma_start3A_186 = arith.constant 0 : i32
        %dma_start3A_187 = arith.constant 0 : i32
        %dma_start3A_188 = tpu.memref_slice %arg2[%dma_start3A_186, %dma_start3A_187] : memref<100000x128xf32, #tpu.memory_space<hbm>> -> memref<100000x128xf32, #tpu.memory_space<hbm>>
        tpu.enqueue_indirect_dma source(%dma_start3A_188 : memref<100000x128xf32, #tpu.memory_space<hbm>>) target(%dma_start3A_182 : memref<80x128xf32, #tpu.memory_space<vmem>>) offsets(%dma_start3A_185 : memref<80xi32, #tpu.memory_space<vmem>>) semaphore(%arg13 : memref<!tpu.dma_semaphore, #tpu.memory_space<semaphore_mem>>)
        %dma_start3A_189 = arith.constant 1 : i32
        %dma_start3A_190 = arith.constant 80 : i32
        %dma_start3A_191 = arith.constant 0 : i32
        %dma_start3A_192 = tpu.memref_slice %arg7[%dma_start3A_190, %dma_start3A_191] : memref<160x128xf32, #tpu.memory_space<vmem>> -> memref<80x128xf32, #tpu.memory_space<vmem>>
        %dma_start3A_193 = arith.constant 0 : i32
        %dma_start3A_194 = tpu.memref_slice %arg5[%dma_start3A_189, %dma_start3A_193] : memref<2x80xi32, #tpu.memory_space<vmem>> -> memref<1x80xi32, #tpu.memory_space<vmem>>
        %dma_start3A_195 = tpu.memref_squeeze %dma_start3A_194 : memref<1x80xi32, #tpu.memory_space<vmem>> -> memref<80xi32, #tpu.memory_space<vmem>>
        %dma_start3A_196 = arith.constant 0 : i32
        %dma_start3A_197 = arith.constant 0 : i32
        %dma_start3A_198 = tpu.memref_slice %arg2[%dma_start3A_196, %dma_start3A_197] : memref<100000x128xf32, #tpu.memory_space<hbm>> -> memref<100000x128xf32, #tpu.memory_space<hbm>>
        tpu.enqueue_indirect_dma source(%dma_start3A_198 : memref<100000x128xf32, #tpu.memory_space<hbm>>) target(%dma_start3A_192 : memref<80x128xf32, #tpu.memory_space<vmem>>) offsets(%dma_start3A_195 : memref<80xi32, #tpu.memory_space<vmem>>) semaphore(%arg13 : memref<!tpu.dma_semaphore, #tpu.memory_space<semaphore_mem>>)
      } else {
      }
      %add3A_115 = arith.constant 1 : i32
      %add3A_116 = arith.addi %add3A_67, %add3A_115 : i32
      %dma_wait3A_117 = arith.constant 0 : i32
      %dma_wait3A_118 = arith.constant 0 : i32
      %dma_wait3A_119 = arith.constant 0 : i32
      %dma_wait3A_120 = tpu.memref_slice %arg8[%dma_wait3A_118, %dma_wait3A_119] : memref<160x128xf32, #tpu.memory_space<vmem>> -> memref<80x128xf32, #tpu.memory_space<vmem>>
      %dma_wait3A_121 = arith.constant 0 : i32
      %dma_wait3A_122 = tpu.memref_slice %arg6[%dma_wait3A_117, %dma_wait3A_121] : memref<2x80xi32, #tpu.memory_space<vmem>> -> memref<1x80xi32, #tpu.memory_space<vmem>>
      %dma_wait3A_123 = tpu.memref_squeeze %dma_wait3A_122 : memref<1x80xi32, #tpu.memory_space<vmem>> -> memref<80xi32, #tpu.memory_space<vmem>>
      %dma_wait3A_124 = arith.constant 0 : i32
      %dma_wait3A_125 = arith.constant 0 : i32
      %dma_wait3A_126 = tpu.memref_slice %arg2[%dma_wait3A_124, %dma_wait3A_125] : memref<100000x128xf32, #tpu.memory_space<hbm>> -> memref<100000x128xf32, #tpu.memory_space<hbm>>
      tpu.wait_indirect_dma semaphore(%arg14 : memref<!tpu.dma_semaphore, #tpu.memory_space<semaphore_mem>>) src(%dma_wait3A_126 : memref<100000x128xf32, #tpu.memory_space<hbm>>) dst(%dma_wait3A_120 : memref<80x128xf32, #tpu.memory_space<vmem>>)
      %dma_wait3A_127 = arith.constant 1 : i32
      %dma_wait3A_128 = arith.constant 80 : i32
      %dma_wait3A_129 = arith.constant 0 : i32
      %dma_wait3A_130 = tpu.memref_slice %arg8[%dma_wait3A_128, %dma_wait3A_129] : memref<160x128xf32, #tpu.memory_space<vmem>> -> memref<80x128xf32, #tpu.memory_space<vmem>>
      %dma_wait3A_131 = arith.constant 0 : i32
      %dma_wait3A_132 = tpu.memref_slice %arg6[%dma_wait3A_127, %dma_wait3A_131] : memref<2x80xi32, #tpu.memory_space<vmem>> -> memref<1x80xi32, #tpu.memory_space<vmem>>
      %dma_wait3A_133 = tpu.memref_squeeze %dma_wait3A_132 : memref<1x80xi32, #tpu.memory_space<vmem>> -> memref<80xi32, #tpu.memory_space<vmem>>
      %dma_wait3A_134 = arith.constant 0 : i32
      %dma_wait3A_135 = arith.constant 0 : i32
      %dma_wait3A_136 = tpu.memref_slice %arg2[%dma_wait3A_134, %dma_wait3A_135] : memref<100000x128xf32, #tpu.memory_space<hbm>> -> memref<100000x128xf32, #tpu.memory_space<hbm>>
      tpu.wait_indirect_dma semaphore(%arg14 : memref<!tpu.dma_semaphore, #tpu.memory_space<semaphore_mem>>) src(%dma_wait3A_136 : memref<100000x128xf32, #tpu.memory_space<hbm>>) dst(%dma_wait3A_130 : memref<80x128xf32, #tpu.memory_space<vmem>>)
      %add3A_137 = arith.constant 2 : i32
      %add3A_138 = arith.addi %add3A_116, %add3A_137 : i32
      %lt3A_139 = arith.constant 400 : i32
      %lt3A_140 = arith.cmpi slt, %add3A_138, %lt3A_139 : i32
      %convert_element_type3A_141 = arith.extui %lt3A_140 : i1 to i32
      %cond3A_142 = arith.constant 0 : i32
      %cond3A_143 = arith.cmpi ne, %convert_element_type3A_141, %cond3A_142 : i32
      scf.if %cond3A_143 {
        %add3A_168 = arith.addi %mul3A_2, %add3A_116 : i32
        %add3A_169 = arith.constant 2 : i32
        %add3A_170 = arith.addi %add3A_168, %add3A_169 : i32
        %dma_start3A_171 = arith.constant 0 : i32
        %dma_start3A_172 = arith.constant 0 : i32
        %dma_start3A_173 = tpu.memref_slice %arg3[%add3A_170, %dma_start3A_171, %dma_start3A_172] : memref<12800x2x80xi32, #tpu.memory_space<hbm>> -> memref<1x2x80xi32, #tpu.memory_space<hbm>>
        %dma_start3A_174 = tpu.memref_squeeze %dma_start3A_173 : memref<1x2x80xi32, #tpu.memory_space<hbm>> -> memref<2x80xi32, #tpu.memory_space<hbm>>
        %dma_start3A_175 = arith.constant 0 : i32
        %dma_start3A_176 = arith.constant 0 : i32
        %dma_start3A_177 = tpu.memref_slice %arg3[%add3A_170, %dma_start3A_175, %dma_start3A_176] : memref<12800x2x80xi32, #tpu.memory_space<hbm>> -> memref<1x2x80xi32, #tpu.memory_space<hbm>>
        %dma_start3A_178 = tpu.memref_squeeze %dma_start3A_177 : memref<1x2x80xi32, #tpu.memory_space<hbm>> -> memref<2x80xi32, #tpu.memory_space<hbm>>
        tpu.enqueue_dma source(%dma_start3A_178 : memref<2x80xi32, #tpu.memory_space<hbm>>) target(%arg6 : memref<2x80xi32, #tpu.memory_space<vmem>>) target_semaphore(%arg12 : memref<!tpu.dma_semaphore, #tpu.memory_space<semaphore_mem>>)
      } else {
      }
      %ge3A_144 = arith.constant 2 : i32
      %ge3A_145 = arith.cmpi sge, %add3A_116, %ge3A_144 : i32
      %convert_element_type3A_146 = arith.extui %ge3A_145 : i1 to i32
      %cond3A_147 = arith.constant 0 : i32
      %cond3A_148 = arith.cmpi ne, %convert_element_type3A_146, %cond3A_147 : i32
      scf.if %cond3A_148 {
        %add3A_168 = arith.addi %mul3A_2, %add3A_116 : i32
        %mul3A_169 = arith.constant 144 : i32
        %mul3A_170 = arith.muli %add3A_168, %mul3A_169 : i32
        %dma_wait3A_171 = arith.constant 0 : i32
        %dma_wait3A_172 = tpu.memref_slice %arg4[%mul3A_170, %dma_wait3A_171] : memref<1843200x16xf32, #tpu.memory_space<hbm>> -> memref<144x16xf32, #tpu.memory_space<hbm>>
        %dma_wait3A_173 = arith.constant 0 : i32
        %dma_wait3A_174 = tpu.memref_slice %arg4[%mul3A_170, %dma_wait3A_173] : memref<1843200x16xf32, #tpu.memory_space<hbm>> -> memref<144x16xf32, #tpu.memory_space<hbm>>
        tpu.wait_dma2 semaphore(%arg16 : memref<!tpu.dma_semaphore, #tpu.memory_space<semaphore_mem>>) src(%arg10 : memref<144x16xf32, #tpu.memory_space<vmem>>) dst(%dma_wait3A_174 : memref<144x16xf32, #tpu.memory_space<hbm>>)
      } else {
      }
      %scan3A_149 = arith.constant 0 : i32
      %scan3A_150 = arith.constant 16 : i32
      %scan3A_151 = arith.addi %scan3A_149, %scan3A_150 : i32
      %scan3A_152 = arith.constant 1 : i32
      scf.for %scan3A_168 = %scan3A_149 to %scan3A_151 step %scan3A_152  : i32 {
        %mul3A_169 = arith.constant 1 : i32
        %mul3A_170 = arith.muli %scan3A_168, %mul3A_169 : i32
        %add3A_171 = arith.constant 0 : i32
        %add3A_172 = arith.addi %add3A_171, %mul3A_170 : i32
        %mul3A_173 = arith.constant 10 : i32
        %mul3A_174 = arith.muli %add3A_172, %mul3A_173 : i32
        %get3A = arith.index_cast %mul3A_174 : i32 to index
        %get3A_175 = arith.constant 0 : index
        %get3A_176 = tpu.vector_load %arg8[%get3A, %get3A_175] {strides = array<i32>} : memref<160x128xf32, #tpu.memory_space<vmem>>, vector<1x16xf32>,
        %get3A_177 = vector.shape_cast %get3A_176 : vector<1x16xf32> to vector<16xf32>
        %get3A_178 = arith.index_cast %mul3A_174 : i32 to index
        %get3A_179 = arith.constant 16 : index
        %get3A_180 = tpu.vector_load %arg8[%get3A_178, %get3A_179] {strides = array<i32>} : memref<160x128xf32, #tpu.memory_space<vmem>>, vector<1x16xf32>,
        %get3A_181 = vector.shape_cast %get3A_180 : vector<1x16xf32> to vector<16xf32>
        %get3A_182 = arith.index_cast %mul3A_174 : i32 to index
        %get3A_183 = arith.constant 32 : index
        %get3A_184 = tpu.vector_load %arg8[%get3A_182, %get3A_183] {strides = array<i32>} : memref<160x128xf32, #tpu.memory_space<vmem>>, vector<1x16xf32>,
        %get3A_185 = vector.shape_cast %get3A_184 : vector<1x16xf32> to vector<16xf32>
        %get3A_186 = arith.index_cast %mul3A_174 : i32 to index
        %get3A_187 = arith.constant 48 : index
        %get3A_188 = tpu.vector_load %arg8[%get3A_186, %get3A_187] {strides = array<i32>} : memref<160x128xf32, #tpu.memory_space<vmem>>, vector<1x16xf32>,
        %get3A_189 = vector.shape_cast %get3A_188 : vector<1x16xf32> to vector<16xf32>
        %get3A_190 = arith.index_cast %mul3A_174 : i32 to index
        %get3A_191 = arith.constant 64 : index
        %get3A_192 = tpu.vector_load %arg8[%get3A_190, %get3A_191] {strides = array<i32>} : memref<160x128xf32, #tpu.memory_space<vmem>>, vector<1x16xf32>,
        %get3A_193 = vector.shape_cast %get3A_192 : vector<1x16xf32> to vector<16xf32>
        %get3A_194 = arith.index_cast %mul3A_174 : i32 to index
        %get3A_195 = arith.constant 80 : index
        %get3A_196 = tpu.vector_load %arg8[%get3A_194, %get3A_195] {strides = array<i32>} : memref<160x128xf32, #tpu.memory_space<vmem>>, vector<1x16xf32>,
        %get3A_197 = vector.shape_cast %get3A_196 : vector<1x16xf32> to vector<16xf32>
        %get3A_198 = arith.index_cast %mul3A_174 : i32 to index
        %get3A_199 = arith.constant 96 : index
        %get3A_200 = tpu.vector_load %arg8[%get3A_198, %get3A_199] {strides = array<i32>} : memref<160x128xf32, #tpu.memory_space<vmem>>, vector<1x16xf32>,
        %get3A_201 = vector.shape_cast %get3A_200 : vector<1x16xf32> to vector<16xf32>
        %get3A_202 = arith.index_cast %mul3A_174 : i32 to index
        %get3A_203 = arith.constant 112 : index
        %get3A_204 = tpu.vector_load %arg8[%get3A_202, %get3A_203] {strides = array<i32>} : memref<160x128xf32, #tpu.memory_space<vmem>>, vector<1x16xf32>,
        %get3A_205 = vector.shape_cast %get3A_204 : vector<1x16xf32> to vector<16xf32>
        %add3A_206 = arith.constant 1 : i32
        %add3A_207 = arith.addi %mul3A_174, %add3A_206 : i32
        %add3A_208 = arith.constant 0 : i32
        %add3A_209 = arith.addi %add3A_207, %add3A_208 : i32
        %get3A_210 = arith.index_cast %add3A_209 : i32 to index
        %get3A_211 = arith.constant 0 : index
        %get3A_212 = tpu.vector_load %arg8[%get3A_210, %get3A_211] {strides = array<i32>} : memref<160x128xf32, #tpu.memory_space<vmem>>, vector<1x16xf32>,
        %get3A_213 = vector.shape_cast %get3A_212 : vector<1x16xf32> to vector<16xf32>
        %mul3A_214 = arith.mulf %get3A_177, %get3A_213 : vector<16xf32>
        %get3A_215 = arith.index_cast %add3A_209 : i32 to index
        %get3A_216 = arith.constant 16 : index
        %get3A_217 = tpu.vector_load %arg8[%get3A_215, %get3A_216] {strides = array<i32>} : memref<160x128xf32, #tpu.memory_space<vmem>>, vector<1x16xf32>,
        %get3A_218 = vector.shape_cast %get3A_217 : vector<1x16xf32> to vector<16xf32>
        %mul3A_219 = arith.mulf %get3A_181, %get3A_218 : vector<16xf32>
        %add3A_220 = arith.addf %mul3A_214, %mul3A_219 : vector<16xf32>
        %get3A_221 = arith.index_cast %add3A_209 : i32 to index
        %get3A_222 = arith.constant 32 : index
        %get3A_223 = tpu.vector_load %arg8[%get3A_221, %get3A_222] {strides = array<i32>} : memref<160x128xf32, #tpu.memory_space<vmem>>, vector<1x16xf32>,
        %get3A_224 = vector.shape_cast %get3A_223 : vector<1x16xf32> to vector<16xf32>
        %mul3A_225 = arith.mulf %get3A_185, %get3A_224 : vector<16xf32>
        %add3A_226 = arith.addf %add3A_220, %mul3A_225 : vector<16xf32>
        %get3A_227 = arith.index_cast %add3A_209 : i32 to index
        %get3A_228 = arith.constant 48 : index
        %get3A_229 = tpu.vector_load %arg8[%get3A_227, %get3A_228] {strides = array<i32>} : memref<160x128xf32, #tpu.memory_space<vmem>>, vector<1x16xf32>,
        %get3A_230 = vector.shape_cast %get3A_229 : vector<1x16xf32> to vector<16xf32>
        %mul3A_231 = arith.mulf %get3A_189, %get3A_230 : vector<16xf32>
        %add3A_232 = arith.addf %add3A_226, %mul3A_231 : vector<16xf32>
        %get3A_233 = arith.index_cast %add3A_209 : i32 to index
        %get3A_234 = arith.constant 64 : index
        %get3A_235 = tpu.vector_load %arg8[%get3A_233, %get3A_234] {strides = array<i32>} : memref<160x128xf32, #tpu.memory_space<vmem>>, vector<1x16xf32>,
        %get3A_236 = vector.shape_cast %get3A_235 : vector<1x16xf32> to vector<16xf32>
        %mul3A_237 = arith.mulf %get3A_193, %get3A_236 : vector<16xf32>
        %add3A_238 = arith.addf %add3A_232, %mul3A_237 : vector<16xf32>
        %get3A_239 = arith.index_cast %add3A_209 : i32 to index
        %get3A_240 = arith.constant 80 : index
        %get3A_241 = tpu.vector_load %arg8[%get3A_239, %get3A_240] {strides = array<i32>} : memref<160x128xf32, #tpu.memory_space<vmem>>, vector<1x16xf32>,
        %get3A_242 = vector.shape_cast %get3A_241 : vector<1x16xf32> to vector<16xf32>
        %mul3A_243 = arith.mulf %get3A_197, %get3A_242 : vector<16xf32>
        %add3A_244 = arith.addf %add3A_238, %mul3A_243 : vector<16xf32>
        %get3A_245 = arith.index_cast %add3A_209 : i32 to index
        %get3A_246 = arith.constant 96 : index
        %get3A_247 = tpu.vector_load %arg8[%get3A_245, %get3A_246] {strides = array<i32>} : memref<160x128xf32, #tpu.memory_space<vmem>>, vector<1x16xf32>,
        %get3A_248 = vector.shape_cast %get3A_247 : vector<1x16xf32> to vector<16xf32>
        %mul3A_249 = arith.mulf %get3A_201, %get3A_248 : vector<16xf32>
        %add3A_250 = arith.addf %add3A_244, %mul3A_249 : vector<16xf32>
        %get3A_251 = arith.index_cast %add3A_209 : i32 to index
        %get3A_252 = arith.constant 112 : index
        %get3A_253 = tpu.vector_load %arg8[%get3A_251, %get3A_252] {strides = array<i32>} : memref<160x128xf32, #tpu.memory_space<vmem>>, vector<1x16xf32>,
        %get3A_254 = vector.shape_cast %get3A_253 : vector<1x16xf32> to vector<16xf32>
        %mul3A_255 = arith.mulf %get3A_205, %get3A_254 : vector<16xf32>
        %add3A_256 = arith.addf %add3A_250, %mul3A_255 : vector<16xf32>
        %mul3A_257 = arith.constant 9 : i32
        %mul3A_258 = arith.muli %add3A_172, %mul3A_257 : i32
        %add3A_259 = arith.constant 0 : i32
        %add3A_260 = arith.addi %mul3A_258, %add3A_259 : i32
        %swap3A = arith.index_cast %add3A_260 : i32 to index
        %swap3A_261 = arith.constant 0 : index
        %swap3A_262 = tpu.vector_load %arg10[%swap3A, %swap3A_261] {strides = array<i32>} : memref<144x16xf32, #tpu.memory_space<vmem>>, vector<1x16xf32>,
        %swap3A_263 = vector.shape_cast %swap3A_262 : vector<1x16xf32> to vector<16xf32>
        %swap3A_264 = vector.shape_cast %add3A_256 : vector<16xf32> to vector<1x16xf32>
        tpu.vector_store %arg10[%swap3A, %swap3A_261], %swap3A_264 {strides = array<i32>} : memref<144x16xf32, #tpu.memory_space<vmem>>, vector<1x16xf32>,
        %add3A_265 = arith.constant 1 : i32
        %add3A_266 = arith.addi %mul3A_174, %add3A_265 : i32
        %add3A_267 = arith.constant 1 : i32
        %add3A_268 = arith.addi %add3A_266, %add3A_267 : i32
        %get3A_269 = arith.index_cast %add3A_268 : i32 to index
        %get3A_270 = arith.constant 0 : index
        %get3A_271 = tpu.vector_load %arg8[%get3A_269, %get3A_270] {strides = array<i32>} : memref<160x128xf32, #tpu.memory_space<vmem>>, vector<1x16xf32>,
        %get3A_272 = vector.shape_cast %get3A_271 : vector<1x16xf32> to vector<16xf32>
        %mul3A_273 = arith.mulf %get3A_177, %get3A_272 : vector<16xf32>
        %get3A_274 = arith.index_cast %add3A_268 : i32 to index
        %get3A_275 = arith.constant 16 : index
        %get3A_276 = tpu.vector_load %arg8[%get3A_274, %get3A_275] {strides = array<i32>} : memref<160x128xf32, #tpu.memory_space<vmem>>, vector<1x16xf32>,
        %get3A_277 = vector.shape_cast %get3A_276 : vector<1x16xf32> to vector<16xf32>
        %mul3A_278 = arith.mulf %get3A_181, %get3A_277 : vector<16xf32>
        %add3A_279 = arith.addf %mul3A_273, %mul3A_278 : vector<16xf32>
        %get3A_280 = arith.index_cast %add3A_268 : i32 to index
        %get3A_281 = arith.constant 32 : index
        %get3A_282 = tpu.vector_load %arg8[%get3A_280, %get3A_281] {strides = array<i32>} : memref<160x128xf32, #tpu.memory_space<vmem>>, vector<1x16xf32>,
        %get3A_283 = vector.shape_cast %get3A_282 : vector<1x16xf32> to vector<16xf32>
        %mul3A_284 = arith.mulf %get3A_185, %get3A_283 : vector<16xf32>
        %add3A_285 = arith.addf %add3A_279, %mul3A_284 : vector<16xf32>
        %get3A_286 = arith.index_cast %add3A_268 : i32 to index
        %get3A_287 = arith.constant 48 : index
        %get3A_288 = tpu.vector_load %arg8[%get3A_286, %get3A_287] {strides = array<i32>} : memref<160x128xf32, #tpu.memory_space<vmem>>, vector<1x16xf32>,
        %get3A_289 = vector.shape_cast %get3A_288 : vector<1x16xf32> to vector<16xf32>
        %mul3A_290 = arith.mulf %get3A_189, %get3A_289 : vector<16xf32>
        %add3A_291 = arith.addf %add3A_285, %mul3A_290 : vector<16xf32>
        %get3A_292 = arith.index_cast %add3A_268 : i32 to index
        %get3A_293 = arith.constant 64 : index
        %get3A_294 = tpu.vector_load %arg8[%get3A_292, %get3A_293] {strides = array<i32>} : memref<160x128xf32, #tpu.memory_space<vmem>>, vector<1x16xf32>,
        %get3A_295 = vector.shape_cast %get3A_294 : vector<1x16xf32> to vector<16xf32>
        %mul3A_296 = arith.mulf %get3A_193, %get3A_295 : vector<16xf32>
        %add3A_297 = arith.addf %add3A_291, %mul3A_296 : vector<16xf32>
        %get3A_298 = arith.index_cast %add3A_268 : i32 to index
        %get3A_299 = arith.constant 80 : index
        %get3A_300 = tpu.vector_load %arg8[%get3A_298, %get3A_299] {strides = array<i32>} : memref<160x128xf32, #tpu.memory_space<vmem>>, vector<1x16xf32>,
        %get3A_301 = vector.shape_cast %get3A_300 : vector<1x16xf32> to vector<16xf32>
        %mul3A_302 = arith.mulf %get3A_197, %get3A_301 : vector<16xf32>
        %add3A_303 = arith.addf %add3A_297, %mul3A_302 : vector<16xf32>
        %get3A_304 = arith.index_cast %add3A_268 : i32 to index
        %get3A_305 = arith.constant 96 : index
        %get3A_306 = tpu.vector_load %arg8[%get3A_304, %get3A_305] {strides = array<i32>} : memref<160x128xf32, #tpu.memory_space<vmem>>, vector<1x16xf32>,
        %get3A_307 = vector.shape_cast %get3A_306 : vector<1x16xf32> to vector<16xf32>
        %mul3A_308 = arith.mulf %get3A_201, %get3A_307 : vector<16xf32>
        %add3A_309 = arith.addf %add3A_303, %mul3A_308 : vector<16xf32>
        %get3A_310 = arith.index_cast %add3A_268 : i32 to index
        %get3A_311 = arith.constant 112 : index
        %get3A_312 = tpu.vector_load %arg8[%get3A_310, %get3A_311] {strides = array<i32>} : memref<160x128xf32, #tpu.memory_space<vmem>>, vector<1x16xf32>,
        %get3A_313 = vector.shape_cast %get3A_312 : vector<1x16xf32> to vector<16xf32>
        %mul3A_314 = arith.mulf %get3A_205, %get3A_313 : vector<16xf32>
        %add3A_315 = arith.addf %add3A_309, %mul3A_314 : vector<16xf32>
        %mul3A_316 = arith.constant 9 : i32
        %mul3A_317 = arith.muli %add3A_172, %mul3A_316 : i32
        %add3A_318 = arith.constant 1 : i32
        %add3A_319 = arith.addi %mul3A_317, %add3A_318 : i32
        %swap3A_320 = arith.index_cast %add3A_319 : i32 to index
        %swap3A_321 = arith.constant 0 : index
        %swap3A_322 = tpu.vector_load %arg10[%swap3A_320, %swap3A_321] {strides = array<i32>} : memref<144x16xf32, #tpu.memory_space<vmem>>, vector<1x16xf32>,
        %swap3A_323 = vector.shape_cast %swap3A_322 : vector<1x16xf32> to vector<16xf32>
        %swap3A_324 = vector.shape_cast %add3A_315 : vector<16xf32> to vector<1x16xf32>
        tpu.vector_store %arg10[%swap3A_320, %swap3A_321], %swap3A_324 {strides = array<i32>} : memref<144x16xf32, #tpu.memory_space<vmem>>, vector<1x16xf32>,
        %add3A_325 = arith.constant 1 : i32
        %add3A_326 = arith.addi %mul3A_174, %add3A_325 : i32
        %add3A_327 = arith.constant 2 : i32
        %add3A_328 = arith.addi %add3A_326, %add3A_327 : i32
        %get3A_329 = arith.index_cast %add3A_328 : i32 to index
        %get3A_330 = arith.constant 0 : index
        %get3A_331 = tpu.vector_load %arg8[%get3A_329, %get3A_330] {strides = array<i32>} : memref<160x128xf32, #tpu.memory_space<vmem>>, vector<1x16xf32>,
        %get3A_332 = vector.shape_cast %get3A_331 : vector<1x16xf32> to vector<16xf32>
        %mul3A_333 = arith.mulf %get3A_177, %get3A_332 : vector<16xf32>
        %get3A_334 = arith.index_cast %add3A_328 : i32 to index
        %get3A_335 = arith.constant 16 : index
        %get3A_336 = tpu.vector_load %arg8[%get3A_334, %get3A_335] {strides = array<i32>} : memref<160x128xf32, #tpu.memory_space<vmem>>, vector<1x16xf32>,
        %get3A_337 = vector.shape_cast %get3A_336 : vector<1x16xf32> to vector<16xf32>
        %mul3A_338 = arith.mulf %get3A_181, %get3A_337 : vector<16xf32>
        %add3A_339 = arith.addf %mul3A_333, %mul3A_338 : vector<16xf32>
        %get3A_340 = arith.index_cast %add3A_328 : i32 to index
        %get3A_341 = arith.constant 32 : index
        %get3A_342 = tpu.vector_load %arg8[%get3A_340, %get3A_341] {strides = array<i32>} : memref<160x128xf32, #tpu.memory_space<vmem>>, vector<1x16xf32>,
        %get3A_343 = vector.shape_cast %get3A_342 : vector<1x16xf32> to vector<16xf32>
        %mul3A_344 = arith.mulf %get3A_185, %get3A_343 : vector<16xf32>
        %add3A_345 = arith.addf %add3A_339, %mul3A_344 : vector<16xf32>
        %get3A_346 = arith.index_cast %add3A_328 : i32 to index
        %get3A_347 = arith.constant 48 : index
        %get3A_348 = tpu.vector_load %arg8[%get3A_346, %get3A_347] {strides = array<i32>} : memref<160x128xf32, #tpu.memory_space<vmem>>, vector<1x16xf32>,
        %get3A_349 = vector.shape_cast %get3A_348 : vector<1x16xf32> to vector<16xf32>
        %mul3A_350 = arith.mulf %get3A_189, %get3A_349 : vector<16xf32>
        %add3A_351 = arith.addf %add3A_345, %mul3A_350 : vector<16xf32>
        %get3A_352 = arith.index_cast %add3A_328 : i32 to index
        %get3A_353 = arith.constant 64 : index
        %get3A_354 = tpu.vector_load %arg8[%get3A_352, %get3A_353] {strides = array<i32>} : memref<160x128xf32, #tpu.memory_space<vmem>>, vector<1x16xf32>,
        %get3A_355 = vector.shape_cast %get3A_354 : vector<1x16xf32> to vector<16xf32>
        %mul3A_356 = arith.mulf %get3A_193, %get3A_355 : vector<16xf32>
        %add3A_357 = arith.addf %add3A_351, %mul3A_356 : vector<16xf32>
        %get3A_358 = arith.index_cast %add3A_328 : i32 to index
        %get3A_359 = arith.constant 80 : index
        %get3A_360 = tpu.vector_load %arg8[%get3A_358, %get3A_359] {strides = array<i32>} : memref<160x128xf32, #tpu.memory_space<vmem>>, vector<1x16xf32>,
        %get3A_361 = vector.shape_cast %get3A_360 : vector<1x16xf32> to vector<16xf32>
        %mul3A_362 = arith.mulf %get3A_197, %get3A_361 : vector<16xf32>
        %add3A_363 = arith.addf %add3A_357, %mul3A_362 : vector<16xf32>
        %get3A_364 = arith.index_cast %add3A_328 : i32 to index
        %get3A_365 = arith.constant 96 : index
        %get3A_366 = tpu.vector_load %arg8[%get3A_364, %get3A_365] {strides = array<i32>} : memref<160x128xf32, #tpu.memory_space<vmem>>, vector<1x16xf32>,
        %get3A_367 = vector.shape_cast %get3A_366 : vector<1x16xf32> to vector<16xf32>
        %mul3A_368 = arith.mulf %get3A_201, %get3A_367 : vector<16xf32>
        %add3A_369 = arith.addf %add3A_363, %mul3A_368 : vector<16xf32>
        %get3A_370 = arith.index_cast %add3A_328 : i32 to index
        %get3A_371 = arith.constant 112 : index
        %get3A_372 = tpu.vector_load %arg8[%get3A_370, %get3A_371] {strides = array<i32>} : memref<160x128xf32, #tpu.memory_space<vmem>>, vector<1x16xf32>,
        %get3A_373 = vector.shape_cast %get3A_372 : vector<1x16xf32> to vector<16xf32>
        %mul3A_374 = arith.mulf %get3A_205, %get3A_373 : vector<16xf32>
        %add3A_375 = arith.addf %add3A_369, %mul3A_374 : vector<16xf32>
        %mul3A_376 = arith.constant 9 : i32
        %mul3A_377 = arith.muli %add3A_172, %mul3A_376 : i32
        %add3A_378 = arith.constant 2 : i32
        %add3A_379 = arith.addi %mul3A_377, %add3A_378 : i32
        %swap3A_380 = arith.index_cast %add3A_379 : i32 to index
        %swap3A_381 = arith.constant 0 : index
        %swap3A_382 = tpu.vector_load %arg10[%swap3A_380, %swap3A_381] {strides = array<i32>} : memref<144x16xf32, #tpu.memory_space<vmem>>, vector<1x16xf32>,
        %swap3A_383 = vector.shape_cast %swap3A_382 : vector<1x16xf32> to vector<16xf32>
        %swap3A_384 = vector.shape_cast %add3A_375 : vector<16xf32> to vector<1x16xf32>
        tpu.vector_store %arg10[%swap3A_380, %swap3A_381], %swap3A_384 {strides = array<i32>} : memref<144x16xf32, #tpu.memory_space<vmem>>, vector<1x16xf32>,
        %add3A_385 = arith.constant 1 : i32
        %add3A_386 = arith.addi %mul3A_174, %add3A_385 : i32
        %add3A_387 = arith.constant 3 : i32
        %add3A_388 = arith.addi %add3A_386, %add3A_387 : i32
        %get3A_389 = arith.index_cast %add3A_388 : i32 to index
        %get3A_390 = arith.constant 0 : index
        %get3A_391 = tpu.vector_load %arg8[%get3A_389, %get3A_390] {strides = array<i32>} : memref<160x128xf32, #tpu.memory_space<vmem>>, vector<1x16xf32>,
        %get3A_392 = vector.shape_cast %get3A_391 : vector<1x16xf32> to vector<16xf32>
        %mul3A_393 = arith.mulf %get3A_177, %get3A_392 : vector<16xf32>
        %get3A_394 = arith.index_cast %add3A_388 : i32 to index
        %get3A_395 = arith.constant 16 : index
        %get3A_396 = tpu.vector_load %arg8[%get3A_394, %get3A_395] {strides = array<i32>} : memref<160x128xf32, #tpu.memory_space<vmem>>, vector<1x16xf32>,
        %get3A_397 = vector.shape_cast %get3A_396 : vector<1x16xf32> to vector<16xf32>
        %mul3A_398 = arith.mulf %get3A_181, %get3A_397 : vector<16xf32>
        %add3A_399 = arith.addf %mul3A_393, %mul3A_398 : vector<16xf32>
        %get3A_400 = arith.index_cast %add3A_388 : i32 to index
        %get3A_401 = arith.constant 32 : index
        %get3A_402 = tpu.vector_load %arg8[%get3A_400, %get3A_401] {strides = array<i32>} : memref<160x128xf32, #tpu.memory_space<vmem>>, vector<1x16xf32>,
        %get3A_403 = vector.shape_cast %get3A_402 : vector<1x16xf32> to vector<16xf32>
        %mul3A_404 = arith.mulf %get3A_185, %get3A_403 : vector<16xf32>
        %add3A_405 = arith.addf %add3A_399, %mul3A_404 : vector<16xf32>
        %get3A_406 = arith.index_cast %add3A_388 : i32 to index
        %get3A_407 = arith.constant 48 : index
        %get3A_408 = tpu.vector_load %arg8[%get3A_406, %get3A_407] {strides = array<i32>} : memref<160x128xf32, #tpu.memory_space<vmem>>, vector<1x16xf32>,
        %get3A_409 = vector.shape_cast %get3A_408 : vector<1x16xf32> to vector<16xf32>
        %mul3A_410 = arith.mulf %get3A_189, %get3A_409 : vector<16xf32>
        %add3A_411 = arith.addf %add3A_405, %mul3A_410 : vector<16xf32>
        %get3A_412 = arith.index_cast %add3A_388 : i32 to index
        %get3A_413 = arith.constant 64 : index
        %get3A_414 = tpu.vector_load %arg8[%get3A_412, %get3A_413] {strides = array<i32>} : memref<160x128xf32, #tpu.memory_space<vmem>>, vector<1x16xf32>,
        %get3A_415 = vector.shape_cast %get3A_414 : vector<1x16xf32> to vector<16xf32>
        %mul3A_416 = arith.mulf %get3A_193, %get3A_415 : vector<16xf32>
        %add3A_417 = arith.addf %add3A_411, %mul3A_416 : vector<16xf32>
        %get3A_418 = arith.index_cast %add3A_388 : i32 to index
        %get3A_419 = arith.constant 80 : index
        %get3A_420 = tpu.vector_load %arg8[%get3A_418, %get3A_419] {strides = array<i32>} : memref<160x128xf32, #tpu.memory_space<vmem>>, vector<1x16xf32>,
        %get3A_421 = vector.shape_cast %get3A_420 : vector<1x16xf32> to vector<16xf32>
        %mul3A_422 = arith.mulf %get3A_197, %get3A_421 : vector<16xf32>
        %add3A_423 = arith.addf %add3A_417, %mul3A_422 : vector<16xf32>
        %get3A_424 = arith.index_cast %add3A_388 : i32 to index
        %get3A_425 = arith.constant 96 : index
        %get3A_426 = tpu.vector_load %arg8[%get3A_424, %get3A_425] {strides = array<i32>} : memref<160x128xf32, #tpu.memory_space<vmem>>, vector<1x16xf32>,
        %get3A_427 = vector.shape_cast %get3A_426 : vector<1x16xf32> to vector<16xf32>
        %mul3A_428 = arith.mulf %get3A_201, %get3A_427 : vector<16xf32>
        %add3A_429 = arith.addf %add3A_423, %mul3A_428 : vector<16xf32>
        %get3A_430 = arith.index_cast %add3A_388 : i32 to index
        %get3A_431 = arith.constant 112 : index
        %get3A_432 = tpu.vector_load %arg8[%get3A_430, %get3A_431] {strides = array<i32>} : memref<160x128xf32, #tpu.memory_space<vmem>>, vector<1x16xf32>,
        %get3A_433 = vector.shape_cast %get3A_432 : vector<1x16xf32> to vector<16xf32>
        %mul3A_434 = arith.mulf %get3A_205, %get3A_433 : vector<16xf32>
        %add3A_435 = arith.addf %add3A_429, %mul3A_434 : vector<16xf32>
        %mul3A_436 = arith.constant 9 : i32
        %mul3A_437 = arith.muli %add3A_172, %mul3A_436 : i32
        %add3A_438 = arith.constant 3 : i32
        %add3A_439 = arith.addi %mul3A_437, %add3A_438 : i32
        %swap3A_440 = arith.index_cast %add3A_439 : i32 to index
        %swap3A_441 = arith.constant 0 : index
        %swap3A_442 = tpu.vector_load %arg10[%swap3A_440, %swap3A_441] {strides = array<i32>} : memref<144x16xf32, #tpu.memory_space<vmem>>, vector<1x16xf32>,
        %swap3A_443 = vector.shape_cast %swap3A_442 : vector<1x16xf32> to vector<16xf32>
        %swap3A_444 = vector.shape_cast %add3A_435 : vector<16xf32> to vector<1x16xf32>
        tpu.vector_store %arg10[%swap3A_440, %swap3A_441], %swap3A_444 {strides = array<i32>} : memref<144x16xf32, #tpu.memory_space<vmem>>, vector<1x16xf32>,
        %add3A_445 = arith.constant 1 : i32
        %add3A_446 = arith.addi %mul3A_174, %add3A_445 : i32
        %add3A_447 = arith.constant 4 : i32
        %add3A_448 = arith.addi %add3A_446, %add3A_447 : i32
        %get3A_449 = arith.index_cast %add3A_448 : i32 to index
        %get3A_450 = arith.constant 0 : index
        %get3A_451 = tpu.vector_load %arg8[%get3A_449, %get3A_450] {strides = array<i32>} : memref<160x128xf32, #tpu.memory_space<vmem>>, vector<1x16xf32>,
        %get3A_452 = vector.shape_cast %get3A_451 : vector<1x16xf32> to vector<16xf32>
        %mul3A_453 = arith.mulf %get3A_177, %get3A_452 : vector<16xf32>
        %get3A_454 = arith.index_cast %add3A_448 : i32 to index
        %get3A_455 = arith.constant 16 : index
        %get3A_456 = tpu.vector_load %arg8[%get3A_454, %get3A_455] {strides = array<i32>} : memref<160x128xf32, #tpu.memory_space<vmem>>, vector<1x16xf32>,
        %get3A_457 = vector.shape_cast %get3A_456 : vector<1x16xf32> to vector<16xf32>
        %mul3A_458 = arith.mulf %get3A_181, %get3A_457 : vector<16xf32>
        %add3A_459 = arith.addf %mul3A_453, %mul3A_458 : vector<16xf32>
        %get3A_460 = arith.index_cast %add3A_448 : i32 to index
        %get3A_461 = arith.constant 32 : index
        %get3A_462 = tpu.vector_load %arg8[%get3A_460, %get3A_461] {strides = array<i32>} : memref<160x128xf32, #tpu.memory_space<vmem>>, vector<1x16xf32>,
        %get3A_463 = vector.shape_cast %get3A_462 : vector<1x16xf32> to vector<16xf32>
        %mul3A_464 = arith.mulf %get3A_185, %get3A_463 : vector<16xf32>
        %add3A_465 = arith.addf %add3A_459, %mul3A_464 : vector<16xf32>
        %get3A_466 = arith.index_cast %add3A_448 : i32 to index
        %get3A_467 = arith.constant 48 : index
        %get3A_468 = tpu.vector_load %arg8[%get3A_466, %get3A_467] {strides = array<i32>} : memref<160x128xf32, #tpu.memory_space<vmem>>, vector<1x16xf32>,
        %get3A_469 = vector.shape_cast %get3A_468 : vector<1x16xf32> to vector<16xf32>
        %mul3A_470 = arith.mulf %get3A_189, %get3A_469 : vector<16xf32>
        %add3A_471 = arith.addf %add3A_465, %mul3A_470 : vector<16xf32>
        %get3A_472 = arith.index_cast %add3A_448 : i32 to index
        %get3A_473 = arith.constant 64 : index
        %get3A_474 = tpu.vector_load %arg8[%get3A_472, %get3A_473] {strides = array<i32>} : memref<160x128xf32, #tpu.memory_space<vmem>>, vector<1x16xf32>,
        %get3A_475 = vector.shape_cast %get3A_474 : vector<1x16xf32> to vector<16xf32>
        %mul3A_476 = arith.mulf %get3A_193, %get3A_475 : vector<16xf32>
        %add3A_477 = arith.addf %add3A_471, %mul3A_476 : vector<16xf32>
        %get3A_478 = arith.index_cast %add3A_448 : i32 to index
        %get3A_479 = arith.constant 80 : index
        %get3A_480 = tpu.vector_load %arg8[%get3A_478, %get3A_479] {strides = array<i32>} : memref<160x128xf32, #tpu.memory_space<vmem>>, vector<1x16xf32>,
        %get3A_481 = vector.shape_cast %get3A_480 : vector<1x16xf32> to vector<16xf32>
        %mul3A_482 = arith.mulf %get3A_197, %get3A_481 : vector<16xf32>
        %add3A_483 = arith.addf %add3A_477, %mul3A_482 : vector<16xf32>
        %get3A_484 = arith.index_cast %add3A_448 : i32 to index
        %get3A_485 = arith.constant 96 : index
        %get3A_486 = tpu.vector_load %arg8[%get3A_484, %get3A_485] {strides = array<i32>} : memref<160x128xf32, #tpu.memory_space<vmem>>, vector<1x16xf32>,
        %get3A_487 = vector.shape_cast %get3A_486 : vector<1x16xf32> to vector<16xf32>
        %mul3A_488 = arith.mulf %get3A_201, %get3A_487 : vector<16xf32>
        %add3A_489 = arith.addf %add3A_483, %mul3A_488 : vector<16xf32>
        %get3A_490 = arith.index_cast %add3A_448 : i32 to index
        %get3A_491 = arith.constant 112 : index
        %get3A_492 = tpu.vector_load %arg8[%get3A_490, %get3A_491] {strides = array<i32>} : memref<160x128xf32, #tpu.memory_space<vmem>>, vector<1x16xf32>,
        %get3A_493 = vector.shape_cast %get3A_492 : vector<1x16xf32> to vector<16xf32>
        %mul3A_494 = arith.mulf %get3A_205, %get3A_493 : vector<16xf32>
        %add3A_495 = arith.addf %add3A_489, %mul3A_494 : vector<16xf32>
        %mul3A_496 = arith.constant 9 : i32
        %mul3A_497 = arith.muli %add3A_172, %mul3A_496 : i32
        %add3A_498 = arith.constant 4 : i32
        %add3A_499 = arith.addi %mul3A_497, %add3A_498 : i32
        %swap3A_500 = arith.index_cast %add3A_499 : i32 to index
        %swap3A_501 = arith.constant 0 : index
        %swap3A_502 = tpu.vector_load %arg10[%swap3A_500, %swap3A_501] {strides = array<i32>} : memref<144x16xf32, #tpu.memory_space<vmem>>, vector<1x16xf32>,
        %swap3A_503 = vector.shape_cast %swap3A_502 : vector<1x16xf32> to vector<16xf32>
        %swap3A_504 = vector.shape_cast %add3A_495 : vector<16xf32> to vector<1x16xf32>
        tpu.vector_store %arg10[%swap3A_500, %swap3A_501], %swap3A_504 {strides = array<i32>} : memref<144x16xf32, #tpu.memory_space<vmem>>, vector<1x16xf32>,
        %add3A_505 = arith.constant 1 : i32
        %add3A_506 = arith.addi %mul3A_174, %add3A_505 : i32
        %add3A_507 = arith.constant 5 : i32
        %add3A_508 = arith.addi %add3A_506, %add3A_507 : i32
        %get3A_509 = arith.index_cast %add3A_508 : i32 to index
        %get3A_510 = arith.constant 0 : index
        %get3A_511 = tpu.vector_load %arg8[%get3A_509, %get3A_510] {strides = array<i32>} : memref<160x128xf32, #tpu.memory_space<vmem>>, vector<1x16xf32>,
        %get3A_512 = vector.shape_cast %get3A_511 : vector<1x16xf32> to vector<16xf32>
        %mul3A_513 = arith.mulf %get3A_177, %get3A_512 : vector<16xf32>
        %get3A_514 = arith.index_cast %add3A_508 : i32 to index
        %get3A_515 = arith.constant 16 : index
        %get3A_516 = tpu.vector_load %arg8[%get3A_514, %get3A_515] {strides = array<i32>} : memref<160x128xf32, #tpu.memory_space<vmem>>, vector<1x16xf32>,
        %get3A_517 = vector.shape_cast %get3A_516 : vector<1x16xf32> to vector<16xf32>
        %mul3A_518 = arith.mulf %get3A_181, %get3A_517 : vector<16xf32>
        %add3A_519 = arith.addf %mul3A_513, %mul3A_518 : vector<16xf32>
        %get3A_520 = arith.index_cast %add3A_508 : i32 to index
        %get3A_521 = arith.constant 32 : index
        %get3A_522 = tpu.vector_load %arg8[%get3A_520, %get3A_521] {strides = array<i32>} : memref<160x128xf32, #tpu.memory_space<vmem>>, vector<1x16xf32>,
        %get3A_523 = vector.shape_cast %get3A_522 : vector<1x16xf32> to vector<16xf32>
        %mul3A_524 = arith.mulf %get3A_185, %get3A_523 : vector<16xf32>
        %add3A_525 = arith.addf %add3A_519, %mul3A_524 : vector<16xf32>
        %get3A_526 = arith.index_cast %add3A_508 : i32 to index
        %get3A_527 = arith.constant 48 : index
        %get3A_528 = tpu.vector_load %arg8[%get3A_526, %get3A_527] {strides = array<i32>} : memref<160x128xf32, #tpu.memory_space<vmem>>, vector<1x16xf32>,
        %get3A_529 = vector.shape_cast %get3A_528 : vector<1x16xf32> to vector<16xf32>
        %mul3A_530 = arith.mulf %get3A_189, %get3A_529 : vector<16xf32>
        %add3A_531 = arith.addf %add3A_525, %mul3A_530 : vector<16xf32>
        %get3A_532 = arith.index_cast %add3A_508 : i32 to index
        %get3A_533 = arith.constant 64 : index
        %get3A_534 = tpu.vector_load %arg8[%get3A_532, %get3A_533] {strides = array<i32>} : memref<160x128xf32, #tpu.memory_space<vmem>>, vector<1x16xf32>,
        %get3A_535 = vector.shape_cast %get3A_534 : vector<1x16xf32> to vector<16xf32>
        %mul3A_536 = arith.mulf %get3A_193, %get3A_535 : vector<16xf32>
        %add3A_537 = arith.addf %add3A_531, %mul3A_536 : vector<16xf32>
        %get3A_538 = arith.index_cast %add3A_508 : i32 to index
        %get3A_539 = arith.constant 80 : index
        %get3A_540 = tpu.vector_load %arg8[%get3A_538, %get3A_539] {strides = array<i32>} : memref<160x128xf32, #tpu.memory_space<vmem>>, vector<1x16xf32>,
        %get3A_541 = vector.shape_cast %get3A_540 : vector<1x16xf32> to vector<16xf32>
        %mul3A_542 = arith.mulf %get3A_197, %get3A_541 : vector<16xf32>
        %add3A_543 = arith.addf %add3A_537, %mul3A_542 : vector<16xf32>
        %get3A_544 = arith.index_cast %add3A_508 : i32 to index
        %get3A_545 = arith.constant 96 : index
        %get3A_546 = tpu.vector_load %arg8[%get3A_544, %get3A_545] {strides = array<i32>} : memref<160x128xf32, #tpu.memory_space<vmem>>, vector<1x16xf32>,
        %get3A_547 = vector.shape_cast %get3A_546 : vector<1x16xf32> to vector<16xf32>
        %mul3A_548 = arith.mulf %get3A_201, %get3A_547 : vector<16xf32>
        %add3A_549 = arith.addf %add3A_543, %mul3A_548 : vector<16xf32>
        %get3A_550 = arith.index_cast %add3A_508 : i32 to index
        %get3A_551 = arith.constant 112 : index
        %get3A_552 = tpu.vector_load %arg8[%get3A_550, %get3A_551] {strides = array<i32>} : memref<160x128xf32, #tpu.memory_space<vmem>>, vector<1x16xf32>,
        %get3A_553 = vector.shape_cast %get3A_552 : vector<1x16xf32> to vector<16xf32>
        %mul3A_554 = arith.mulf %get3A_205, %get3A_553 : vector<16xf32>
        %add3A_555 = arith.addf %add3A_549, %mul3A_554 : vector<16xf32>
        %mul3A_556 = arith.constant 9 : i32
        %mul3A_557 = arith.muli %add3A_172, %mul3A_556 : i32
        %add3A_558 = arith.constant 5 : i32
        %add3A_559 = arith.addi %mul3A_557, %add3A_558 : i32
        %swap3A_560 = arith.index_cast %add3A_559 : i32 to index
        %swap3A_561 = arith.constant 0 : index
        %swap3A_562 = tpu.vector_load %arg10[%swap3A_560, %swap3A_561] {strides = array<i32>} : memref<144x16xf32, #tpu.memory_space<vmem>>, vector<1x16xf32>,
        %swap3A_563 = vector.shape_cast %swap3A_562 : vector<1x16xf32> to vector<16xf32>
        %swap3A_564 = vector.shape_cast %add3A_555 : vector<16xf32> to vector<1x16xf32>
        tpu.vector_store %arg10[%swap3A_560, %swap3A_561], %swap3A_564 {strides = array<i32>} : memref<144x16xf32, #tpu.memory_space<vmem>>, vector<1x16xf32>,
        %add3A_565 = arith.constant 1 : i32
        %add3A_566 = arith.addi %mul3A_174, %add3A_565 : i32
        %add3A_567 = arith.constant 6 : i32
        %add3A_568 = arith.addi %add3A_566, %add3A_567 : i32
        %get3A_569 = arith.index_cast %add3A_568 : i32 to index
        %get3A_570 = arith.constant 0 : index
        %get3A_571 = tpu.vector_load %arg8[%get3A_569, %get3A_570] {strides = array<i32>} : memref<160x128xf32, #tpu.memory_space<vmem>>, vector<1x16xf32>,
        %get3A_572 = vector.shape_cast %get3A_571 : vector<1x16xf32> to vector<16xf32>
        %mul3A_573 = arith.mulf %get3A_177, %get3A_572 : vector<16xf32>
        %get3A_574 = arith.index_cast %add3A_568 : i32 to index
        %get3A_575 = arith.constant 16 : index
        %get3A_576 = tpu.vector_load %arg8[%get3A_574, %get3A_575] {strides = array<i32>} : memref<160x128xf32, #tpu.memory_space<vmem>>, vector<1x16xf32>,
        %get3A_577 = vector.shape_cast %get3A_576 : vector<1x16xf32> to vector<16xf32>
        %mul3A_578 = arith.mulf %get3A_181, %get3A_577 : vector<16xf32>
        %add3A_579 = arith.addf %mul3A_573, %mul3A_578 : vector<16xf32>
        %get3A_580 = arith.index_cast %add3A_568 : i32 to index
        %get3A_581 = arith.constant 32 : index
        %get3A_582 = tpu.vector_load %arg8[%get3A_580, %get3A_581] {strides = array<i32>} : memref<160x128xf32, #tpu.memory_space<vmem>>, vector<1x16xf32>,
        %get3A_583 = vector.shape_cast %get3A_582 : vector<1x16xf32> to vector<16xf32>
        %mul3A_584 = arith.mulf %get3A_185, %get3A_583 : vector<16xf32>
        %add3A_585 = arith.addf %add3A_579, %mul3A_584 : vector<16xf32>
        %get3A_586 = arith.index_cast %add3A_568 : i32 to index
        %get3A_587 = arith.constant 48 : index
        %get3A_588 = tpu.vector_load %arg8[%get3A_586, %get3A_587] {strides = array<i32>} : memref<160x128xf32, #tpu.memory_space<vmem>>, vector<1x16xf32>,
        %get3A_589 = vector.shape_cast %get3A_588 : vector<1x16xf32> to vector<16xf32>
        %mul3A_590 = arith.mulf %get3A_189, %get3A_589 : vector<16xf32>
        %add3A_591 = arith.addf %add3A_585, %mul3A_590 : vector<16xf32>
        %get3A_592 = arith.index_cast %add3A_568 : i32 to index
        %get3A_593 = arith.constant 64 : index
        %get3A_594 = tpu.vector_load %arg8[%get3A_592, %get3A_593] {strides = array<i32>} : memref<160x128xf32, #tpu.memory_space<vmem>>, vector<1x16xf32>,
        %get3A_595 = vector.shape_cast %get3A_594 : vector<1x16xf32> to vector<16xf32>
        %mul3A_596 = arith.mulf %get3A_193, %get3A_595 : vector<16xf32>
        %add3A_597 = arith.addf %add3A_591, %mul3A_596 : vector<16xf32>
        %get3A_598 = arith.index_cast %add3A_568 : i32 to index
        %get3A_599 = arith.constant 80 : index
        %get3A_600 = tpu.vector_load %arg8[%get3A_598, %get3A_599] {strides = array<i32>} : memref<160x128xf32, #tpu.memory_space<vmem>>, vector<1x16xf32>,
        %get3A_601 = vector.shape_cast %get3A_600 : vector<1x16xf32> to vector<16xf32>
        %mul3A_602 = arith.mulf %get3A_197, %get3A_601 : vector<16xf32>
        %add3A_603 = arith.addf %add3A_597, %mul3A_602 : vector<16xf32>
        %get3A_604 = arith.index_cast %add3A_568 : i32 to index
        %get3A_605 = arith.constant 96 : index
        %get3A_606 = tpu.vector_load %arg8[%get3A_604, %get3A_605] {strides = array<i32>} : memref<160x128xf32, #tpu.memory_space<vmem>>, vector<1x16xf32>,
        %get3A_607 = vector.shape_cast %get3A_606 : vector<1x16xf32> to vector<16xf32>
        %mul3A_608 = arith.mulf %get3A_201, %get3A_607 : vector<16xf32>
        %add3A_609 = arith.addf %add3A_603, %mul3A_608 : vector<16xf32>
        %get3A_610 = arith.index_cast %add3A_568 : i32 to index
        %get3A_611 = arith.constant 112 : index
        %get3A_612 = tpu.vector_load %arg8[%get3A_610, %get3A_611] {strides = array<i32>} : memref<160x128xf32, #tpu.memory_space<vmem>>, vector<1x16xf32>,
        %get3A_613 = vector.shape_cast %get3A_612 : vector<1x16xf32> to vector<16xf32>
        %mul3A_614 = arith.mulf %get3A_205, %get3A_613 : vector<16xf32>
        %add3A_615 = arith.addf %add3A_609, %mul3A_614 : vector<16xf32>
        %mul3A_616 = arith.constant 9 : i32
        %mul3A_617 = arith.muli %add3A_172, %mul3A_616 : i32
        %add3A_618 = arith.constant 6 : i32
        %add3A_619 = arith.addi %mul3A_617, %add3A_618 : i32
        %swap3A_620 = arith.index_cast %add3A_619 : i32 to index
        %swap3A_621 = arith.constant 0 : index
        %swap3A_622 = tpu.vector_load %arg10[%swap3A_620, %swap3A_621] {strides = array<i32>} : memref<144x16xf32, #tpu.memory_space<vmem>>, vector<1x16xf32>,
        %swap3A_623 = vector.shape_cast %swap3A_622 : vector<1x16xf32> to vector<16xf32>
        %swap3A_624 = vector.shape_cast %add3A_615 : vector<16xf32> to vector<1x16xf32>
        tpu.vector_store %arg10[%swap3A_620, %swap3A_621], %swap3A_624 {strides = array<i32>} : memref<144x16xf32, #tpu.memory_space<vmem>>, vector<1x16xf32>,
        %add3A_625 = arith.constant 1 : i32
        %add3A_626 = arith.addi %mul3A_174, %add3A_625 : i32
        %add3A_627 = arith.constant 7 : i32
        %add3A_628 = arith.addi %add3A_626, %add3A_627 : i32
        %get3A_629 = arith.index_cast %add3A_628 : i32 to index
        %get3A_630 = arith.constant 0 : index
        %get3A_631 = tpu.vector_load %arg8[%get3A_629, %get3A_630] {strides = array<i32>} : memref<160x128xf32, #tpu.memory_space<vmem>>, vector<1x16xf32>,
        %get3A_632 = vector.shape_cast %get3A_631 : vector<1x16xf32> to vector<16xf32>
        %mul3A_633 = arith.mulf %get3A_177, %get3A_632 : vector<16xf32>
        %get3A_634 = arith.index_cast %add3A_628 : i32 to index
        %get3A_635 = arith.constant 16 : index
        %get3A_636 = tpu.vector_load %arg8[%get3A_634, %get3A_635] {strides = array<i32>} : memref<160x128xf32, #tpu.memory_space<vmem>>, vector<1x16xf32>,
        %get3A_637 = vector.shape_cast %get3A_636 : vector<1x16xf32> to vector<16xf32>
        %mul3A_638 = arith.mulf %get3A_181, %get3A_637 : vector<16xf32>
        %add3A_639 = arith.addf %mul3A_633, %mul3A_638 : vector<16xf32>
        %get3A_640 = arith.index_cast %add3A_628 : i32 to index
        %get3A_641 = arith.constant 32 : index
        %get3A_642 = tpu.vector_load %arg8[%get3A_640, %get3A_641] {strides = array<i32>} : memref<160x128xf32, #tpu.memory_space<vmem>>, vector<1x16xf32>,
        %get3A_643 = vector.shape_cast %get3A_642 : vector<1x16xf32> to vector<16xf32>
        %mul3A_644 = arith.mulf %get3A_185, %get3A_643 : vector<16xf32>
        %add3A_645 = arith.addf %add3A_639, %mul3A_644 : vector<16xf32>
        %get3A_646 = arith.index_cast %add3A_628 : i32 to index
        %get3A_647 = arith.constant 48 : index
        %get3A_648 = tpu.vector_load %arg8[%get3A_646, %get3A_647] {strides = array<i32>} : memref<160x128xf32, #tpu.memory_space<vmem>>, vector<1x16xf32>,
        %get3A_649 = vector.shape_cast %get3A_648 : vector<1x16xf32> to vector<16xf32>
        %mul3A_650 = arith.mulf %get3A_189, %get3A_649 : vector<16xf32>
        %add3A_651 = arith.addf %add3A_645, %mul3A_650 : vector<16xf32>
        %get3A_652 = arith.index_cast %add3A_628 : i32 to index
        %get3A_653 = arith.constant 64 : index
        %get3A_654 = tpu.vector_load %arg8[%get3A_652, %get3A_653] {strides = array<i32>} : memref<160x128xf32, #tpu.memory_space<vmem>>, vector<1x16xf32>,
        %get3A_655 = vector.shape_cast %get3A_654 : vector<1x16xf32> to vector<16xf32>
        %mul3A_656 = arith.mulf %get3A_193, %get3A_655 : vector<16xf32>
        %add3A_657 = arith.addf %add3A_651, %mul3A_656 : vector<16xf32>
        %get3A_658 = arith.index_cast %add3A_628 : i32 to index
        %get3A_659 = arith.constant 80 : index
        %get3A_660 = tpu.vector_load %arg8[%get3A_658, %get3A_659] {strides = array<i32>} : memref<160x128xf32, #tpu.memory_space<vmem>>, vector<1x16xf32>,
        %get3A_661 = vector.shape_cast %get3A_660 : vector<1x16xf32> to vector<16xf32>
        %mul3A_662 = arith.mulf %get3A_197, %get3A_661 : vector<16xf32>
        %add3A_663 = arith.addf %add3A_657, %mul3A_662 : vector<16xf32>
        %get3A_664 = arith.index_cast %add3A_628 : i32 to index
        %get3A_665 = arith.constant 96 : index
        %get3A_666 = tpu.vector_load %arg8[%get3A_664, %get3A_665] {strides = array<i32>} : memref<160x128xf32, #tpu.memory_space<vmem>>, vector<1x16xf32>,
        %get3A_667 = vector.shape_cast %get3A_666 : vector<1x16xf32> to vector<16xf32>
        %mul3A_668 = arith.mulf %get3A_201, %get3A_667 : vector<16xf32>
        %add3A_669 = arith.addf %add3A_663, %mul3A_668 : vector<16xf32>
        %get3A_670 = arith.index_cast %add3A_628 : i32 to index
        %get3A_671 = arith.constant 112 : index
        %get3A_672 = tpu.vector_load %arg8[%get3A_670, %get3A_671] {strides = array<i32>} : memref<160x128xf32, #tpu.memory_space<vmem>>, vector<1x16xf32>,
        %get3A_673 = vector.shape_cast %get3A_672 : vector<1x16xf32> to vector<16xf32>
        %mul3A_674 = arith.mulf %get3A_205, %get3A_673 : vector<16xf32>
        %add3A_675 = arith.addf %add3A_669, %mul3A_674 : vector<16xf32>
        %mul3A_676 = arith.constant 9 : i32
        %mul3A_677 = arith.muli %add3A_172, %mul3A_676 : i32
        %add3A_678 = arith.constant 7 : i32
        %add3A_679 = arith.addi %mul3A_677, %add3A_678 : i32
        %swap3A_680 = arith.index_cast %add3A_679 : i32 to index
        %swap3A_681 = arith.constant 0 : index
        %swap3A_682 = tpu.vector_load %arg10[%swap3A_680, %swap3A_681] {strides = array<i32>} : memref<144x16xf32, #tpu.memory_space<vmem>>, vector<1x16xf32>,
        %swap3A_683 = vector.shape_cast %swap3A_682 : vector<1x16xf32> to vector<16xf32>
        %swap3A_684 = vector.shape_cast %add3A_675 : vector<16xf32> to vector<1x16xf32>
        tpu.vector_store %arg10[%swap3A_680, %swap3A_681], %swap3A_684 {strides = array<i32>} : memref<144x16xf32, #tpu.memory_space<vmem>>, vector<1x16xf32>,
        %add3A_685 = arith.constant 1 : i32
        %add3A_686 = arith.addi %mul3A_174, %add3A_685 : i32
        %add3A_687 = arith.constant 8 : i32
        %add3A_688 = arith.addi %add3A_686, %add3A_687 : i32
        %get3A_689 = arith.index_cast %add3A_688 : i32 to index
        %get3A_690 = arith.constant 0 : index
        %get3A_691 = tpu.vector_load %arg8[%get3A_689, %get3A_690] {strides = array<i32>} : memref<160x128xf32, #tpu.memory_space<vmem>>, vector<1x16xf32>,
        %get3A_692 = vector.shape_cast %get3A_691 : vector<1x16xf32> to vector<16xf32>
        %mul3A_693 = arith.mulf %get3A_177, %get3A_692 : vector<16xf32>
        %get3A_694 = arith.index_cast %add3A_688 : i32 to index
        %get3A_695 = arith.constant 16 : index
        %get3A_696 = tpu.vector_load %arg8[%get3A_694, %get3A_695] {strides = array<i32>} : memref<160x128xf32, #tpu.memory_space<vmem>>, vector<1x16xf32>,
        %get3A_697 = vector.shape_cast %get3A_696 : vector<1x16xf32> to vector<16xf32>
        %mul3A_698 = arith.mulf %get3A_181, %get3A_697 : vector<16xf32>
        %add3A_699 = arith.addf %mul3A_693, %mul3A_698 : vector<16xf32>
        %get3A_700 = arith.index_cast %add3A_688 : i32 to index
        %get3A_701 = arith.constant 32 : index
        %get3A_702 = tpu.vector_load %arg8[%get3A_700, %get3A_701] {strides = array<i32>} : memref<160x128xf32, #tpu.memory_space<vmem>>, vector<1x16xf32>,
        %get3A_703 = vector.shape_cast %get3A_702 : vector<1x16xf32> to vector<16xf32>
        %mul3A_704 = arith.mulf %get3A_185, %get3A_703 : vector<16xf32>
        %add3A_705 = arith.addf %add3A_699, %mul3A_704 : vector<16xf32>
        %get3A_706 = arith.index_cast %add3A_688 : i32 to index
        %get3A_707 = arith.constant 48 : index
        %get3A_708 = tpu.vector_load %arg8[%get3A_706, %get3A_707] {strides = array<i32>} : memref<160x128xf32, #tpu.memory_space<vmem>>, vector<1x16xf32>,
        %get3A_709 = vector.shape_cast %get3A_708 : vector<1x16xf32> to vector<16xf32>
        %mul3A_710 = arith.mulf %get3A_189, %get3A_709 : vector<16xf32>
        %add3A_711 = arith.addf %add3A_705, %mul3A_710 : vector<16xf32>
        %get3A_712 = arith.index_cast %add3A_688 : i32 to index
        %get3A_713 = arith.constant 64 : index
        %get3A_714 = tpu.vector_load %arg8[%get3A_712, %get3A_713] {strides = array<i32>} : memref<160x128xf32, #tpu.memory_space<vmem>>, vector<1x16xf32>,
        %get3A_715 = vector.shape_cast %get3A_714 : vector<1x16xf32> to vector<16xf32>
        %mul3A_716 = arith.mulf %get3A_193, %get3A_715 : vector<16xf32>
        %add3A_717 = arith.addf %add3A_711, %mul3A_716 : vector<16xf32>
        %get3A_718 = arith.index_cast %add3A_688 : i32 to index
        %get3A_719 = arith.constant 80 : index
        %get3A_720 = tpu.vector_load %arg8[%get3A_718, %get3A_719] {strides = array<i32>} : memref<160x128xf32, #tpu.memory_space<vmem>>, vector<1x16xf32>,
        %get3A_721 = vector.shape_cast %get3A_720 : vector<1x16xf32> to vector<16xf32>
        %mul3A_722 = arith.mulf %get3A_197, %get3A_721 : vector<16xf32>
        %add3A_723 = arith.addf %add3A_717, %mul3A_722 : vector<16xf32>
        %get3A_724 = arith.index_cast %add3A_688 : i32 to index
        %get3A_725 = arith.constant 96 : index
        %get3A_726 = tpu.vector_load %arg8[%get3A_724, %get3A_725] {strides = array<i32>} : memref<160x128xf32, #tpu.memory_space<vmem>>, vector<1x16xf32>,
        %get3A_727 = vector.shape_cast %get3A_726 : vector<1x16xf32> to vector<16xf32>
        %mul3A_728 = arith.mulf %get3A_201, %get3A_727 : vector<16xf32>
        %add3A_729 = arith.addf %add3A_723, %mul3A_728 : vector<16xf32>
        %get3A_730 = arith.index_cast %add3A_688 : i32 to index
        %get3A_731 = arith.constant 112 : index
        %get3A_732 = tpu.vector_load %arg8[%get3A_730, %get3A_731] {strides = array<i32>} : memref<160x128xf32, #tpu.memory_space<vmem>>, vector<1x16xf32>,
        %get3A_733 = vector.shape_cast %get3A_732 : vector<1x16xf32> to vector<16xf32>
        %mul3A_734 = arith.mulf %get3A_205, %get3A_733 : vector<16xf32>
        %add3A_735 = arith.addf %add3A_729, %mul3A_734 : vector<16xf32>
        %mul3A_736 = arith.constant 9 : i32
        %mul3A_737 = arith.muli %add3A_172, %mul3A_736 : i32
        %add3A_738 = arith.constant 8 : i32
        %add3A_739 = arith.addi %mul3A_737, %add3A_738 : i32
        %swap3A_740 = arith.index_cast %add3A_739 : i32 to index
        %swap3A_741 = arith.constant 0 : index
        %swap3A_742 = tpu.vector_load %arg10[%swap3A_740, %swap3A_741] {strides = array<i32>} : memref<144x16xf32, #tpu.memory_space<vmem>>, vector<1x16xf32>,
        %swap3A_743 = vector.shape_cast %swap3A_742 : vector<1x16xf32> to vector<16xf32>
        %swap3A_744 = vector.shape_cast %add3A_735 : vector<16xf32> to vector<1x16xf32>
        tpu.vector_store %arg10[%swap3A_740, %swap3A_741], %swap3A_744 {strides = array<i32>} : memref<144x16xf32, #tpu.memory_space<vmem>>, vector<1x16xf32>,
      }
      %scan3A_153 = arith.constant 16 : i32
      %add3A_154 = arith.addi %mul3A_2, %add3A_116 : i32
      %mul3A_155 = arith.constant 144 : i32
      %mul3A_156 = arith.muli %add3A_154, %mul3A_155 : i32
      %dma_start3A_157 = arith.constant 0 : i32
      %dma_start3A_158 = tpu.memref_slice %arg4[%mul3A_156, %dma_start3A_157] : memref<1843200x16xf32, #tpu.memory_space<hbm>> -> memref<144x16xf32, #tpu.memory_space<hbm>>
      %dma_start3A_159 = arith.constant 0 : i32
      %dma_start3A_160 = tpu.memref_slice %arg4[%mul3A_156, %dma_start3A_159] : memref<1843200x16xf32, #tpu.memory_space<hbm>> -> memref<144x16xf32, #tpu.memory_space<hbm>>
      tpu.enqueue_dma source(%arg10 : memref<144x16xf32, #tpu.memory_space<vmem>>) target(%dma_start3A_160 : memref<144x16xf32, #tpu.memory_space<hbm>>) target_semaphore(%arg16 : memref<!tpu.dma_semaphore, #tpu.memory_space<semaphore_mem>>)
      %add3A_161 = arith.constant 2 : i32
      %add3A_162 = arith.addi %add3A_116, %add3A_161 : i32
      %lt3A_163 = arith.constant 400 : i32
      %lt3A_164 = arith.cmpi slt, %add3A_162, %lt3A_163 : i32
      %convert_element_type3A_165 = arith.extui %lt3A_164 : i1 to i32
      %cond3A_166 = arith.constant 0 : i32
      %cond3A_167 = arith.cmpi ne, %convert_element_type3A_165, %cond3A_166 : i32
      scf.if %cond3A_167 {
        %add3A_168 = arith.addi %mul3A_2, %add3A_116 : i32
        %add3A_169 = arith.constant 2 : i32
        %add3A_170 = arith.addi %add3A_168, %add3A_169 : i32
        %dma_wait3A_171 = arith.constant 0 : i32
        %dma_wait3A_172 = arith.constant 0 : i32
        %dma_wait3A_173 = tpu.memref_slice %arg3[%add3A_170, %dma_wait3A_171, %dma_wait3A_172] : memref<12800x2x80xi32, #tpu.memory_space<hbm>> -> memref<1x2x80xi32, #tpu.memory_space<hbm>>
        %dma_wait3A_174 = tpu.memref_squeeze %dma_wait3A_173 : memref<1x2x80xi32, #tpu.memory_space<hbm>> -> memref<2x80xi32, #tpu.memory_space<hbm>>
        %dma_wait3A_175 = arith.constant 0 : i32
        %dma_wait3A_176 = arith.constant 0 : i32
        %dma_wait3A_177 = tpu.memref_slice %arg3[%add3A_170, %dma_wait3A_175, %dma_wait3A_176] : memref<12800x2x80xi32, #tpu.memory_space<hbm>> -> memref<1x2x80xi32, #tpu.memory_space<hbm>>
        %dma_wait3A_178 = tpu.memref_squeeze %dma_wait3A_177 : memref<1x2x80xi32, #tpu.memory_space<hbm>> -> memref<2x80xi32, #tpu.memory_space<hbm>>
        tpu.wait_dma2 semaphore(%arg12 : memref<!tpu.dma_semaphore, #tpu.memory_space<semaphore_mem>>) src(%dma_wait3A_178 : memref<2x80xi32, #tpu.memory_space<hbm>>) dst(%arg6 : memref<2x80xi32, #tpu.memory_space<vmem>>)
        %dma_start3A_179 = arith.constant 0 : i32
        %dma_start3A_180 = arith.constant 0 : i32
        %dma_start3A_181 = arith.constant 0 : i32
        %dma_start3A_182 = tpu.memref_slice %arg8[%dma_start3A_180, %dma_start3A_181] : memref<160x128xf32, #tpu.memory_space<vmem>> -> memref<80x128xf32, #tpu.memory_space<vmem>>
        %dma_start3A_183 = arith.constant 0 : i32
        %dma_start3A_184 = tpu.memref_slice %arg6[%dma_start3A_179, %dma_start3A_183] : memref<2x80xi32, #tpu.memory_space<vmem>> -> memref<1x80xi32, #tpu.memory_space<vmem>>
        %dma_start3A_185 = tpu.memref_squeeze %dma_start3A_184 : memref<1x80xi32, #tpu.memory_space<vmem>> -> memref<80xi32, #tpu.memory_space<vmem>>
        %dma_start3A_186 = arith.constant 0 : i32
        %dma_start3A_187 = arith.constant 0 : i32
        %dma_start3A_188 = tpu.memref_slice %arg2[%dma_start3A_186, %dma_start3A_187] : memref<100000x128xf32, #tpu.memory_space<hbm>> -> memref<100000x128xf32, #tpu.memory_space<hbm>>
        tpu.enqueue_indirect_dma source(%dma_start3A_188 : memref<100000x128xf32, #tpu.memory_space<hbm>>) target(%dma_start3A_182 : memref<80x128xf32, #tpu.memory_space<vmem>>) offsets(%dma_start3A_185 : memref<80xi32, #tpu.memory_space<vmem>>) semaphore(%arg14 : memref<!tpu.dma_semaphore, #tpu.memory_space<semaphore_mem>>)
        %dma_start3A_189 = arith.constant 1 : i32
        %dma_start3A_190 = arith.constant 80 : i32
        %dma_start3A_191 = arith.constant 0 : i32
        %dma_start3A_192 = tpu.memref_slice %arg8[%dma_start3A_190, %dma_start3A_191] : memref<160x128xf32, #tpu.memory_space<vmem>> -> memref<80x128xf32, #tpu.memory_space<vmem>>
        %dma_start3A_193 = arith.constant 0 : i32
        %dma_start3A_194 = tpu.memref_slice %arg6[%dma_start3A_189, %dma_start3A_193] : memref<2x80xi32, #tpu.memory_space<vmem>> -> memref<1x80xi32, #tpu.memory_space<vmem>>
        %dma_start3A_195 = tpu.memref_squeeze %dma_start3A_194 : memref<1x80xi32, #tpu.memory_space<vmem>> -> memref<80xi32, #tpu.memory_space<vmem>>
        %dma_start3A_196 = arith.constant 0 : i32
        %dma_start3A_197 = arith.constant 0 : i32
        %dma_start3A_198 = tpu.memref_slice %arg2[%dma_start3A_196, %dma_start3A_197] : memref<100000x128xf32, #tpu.memory_space<hbm>> -> memref<100000x128xf32, #tpu.memory_space<hbm>>
        tpu.enqueue_indirect_dma source(%dma_start3A_198 : memref<100000x128xf32, #tpu.memory_space<hbm>>) target(%dma_start3A_192 : memref<80x128xf32, #tpu.memory_space<vmem>>) offsets(%dma_start3A_195 : memref<80xi32, #tpu.memory_space<vmem>>) semaphore(%arg14 : memref<!tpu.dma_semaphore, #tpu.memory_space<semaphore_mem>>)
      } else {
      }
    }
    %scan3A_47 = arith.constant 200 : i32
    %add3A_48 = arith.constant 398 : i32
    %add3A_49 = arith.addi %mul3A_2, %add3A_48 : i32
    %mul3A_50 = arith.constant 144 : i32
    %mul3A_51 = arith.muli %add3A_49, %mul3A_50 : i32
    %dma_wait3A = arith.constant 0 : i32
    %dma_wait3A_52 = tpu.memref_slice %arg4[%mul3A_51, %dma_wait3A] : memref<1843200x16xf32, #tpu.memory_space<hbm>> -> memref<144x16xf32, #tpu.memory_space<hbm>>
    %dma_wait3A_53 = arith.constant 0 : i32
    %dma_wait3A_54 = tpu.memref_slice %arg4[%mul3A_51, %dma_wait3A_53] : memref<1843200x16xf32, #tpu.memory_space<hbm>> -> memref<144x16xf32, #tpu.memory_space<hbm>>
    tpu.wait_dma2 semaphore(%arg15 : memref<!tpu.dma_semaphore, #tpu.memory_space<semaphore_mem>>) src(%arg9 : memref<144x16xf32, #tpu.memory_space<vmem>>) dst(%dma_wait3A_54 : memref<144x16xf32, #tpu.memory_space<hbm>>)
    %add3A_55 = arith.constant 399 : i32
    %add3A_56 = arith.addi %mul3A_2, %add3A_55 : i32
    %mul3A_57 = arith.constant 144 : i32
    %mul3A_58 = arith.muli %add3A_56, %mul3A_57 : i32
    %dma_wait3A_59 = arith.constant 0 : i32
    %dma_wait3A_60 = tpu.memref_slice %arg4[%mul3A_58, %dma_wait3A_59] : memref<1843200x16xf32, #tpu.memory_space<hbm>> -> memref<144x16xf32, #tpu.memory_space<hbm>>
    %dma_wait3A_61 = arith.constant 0 : i32
    %dma_wait3A_62 = tpu.memref_slice %arg4[%mul3A_58, %dma_wait3A_61] : memref<1843200x16xf32, #tpu.memory_space<hbm>> -> memref<144x16xf32, #tpu.memory_space<hbm>>
    tpu.wait_dma2 semaphore(%arg16 : memref<!tpu.dma_semaphore, #tpu.memory_space<semaphore_mem>>) src(%arg10 : memref<144x16xf32, #tpu.memory_space<vmem>>) dst(%dma_wait3A_62 : memref<144x16xf32, #tpu.memory_space<hbm>>)
    return
  }
}

module attributes {stable_mosaic.version = 14 : i64} {
  func.func @_tc_loss_body(%arg0: i32, %arg1: memref<1152x128xf32, #tpu.memory_space<vmem>>, %arg2: memref<1152x128xf32, #tpu.memory_space<vmem>>, %arg3: memref<1x1xf32, #tpu.memory_space<vmem>>) attributes {dimension_semantics = [#tpu.dimension_semantics<arbitrary>], iteration_bounds = array<i64: 100>, scalar_prefetch = 0 : i64, scratch_operands = 0 : i64, tpu.core_type = #tpu.core_type<tc>, window_params = [{transform_indices = @transform_0, window_bounds = array<i64: 1152, 128>}, {transform_indices = @transform_1, window_bounds = array<i64: 1152, 128>}, {pipeline_mode = #tpu.pipeline_mode<synchronous>, transform_indices = @transform_2, window_bounds = array<i64: 1, 1>}]} {
    %iota3A = tpu.iota {dimensions = array<i32: 0>} : vector<128x8xi32>
    %iota3A_0 = tpu.iota {dimensions = array<i32: 1>} : vector<128x8xi32>
    %jit3A = arith.constant 16 : i32
    %div3A = vector.broadcast %jit3A : i32 to vector<128x8xi32>
    %div3A_1 = arith.divsi %iota3A, %div3A : vector<128x8xi32>
    %sign3A = arith.constant 0 : i32
    %sign3A_2 = vector.broadcast %sign3A : i32 to vector<128x8xi32>
    %sign3A_3 = arith.cmpi sgt, %iota3A, %sign3A_2 : vector<128x8xi32>
    %sign3A_4 = arith.extui %sign3A_3 : vector<128x8xi1> to vector<128x8xi32>
    %sign3A_5 = arith.constant 0 : i32
    %sign3A_6 = vector.broadcast %sign3A_5 : i32 to vector<128x8xi32>
    %sign3A_7 = arith.cmpi slt, %iota3A, %sign3A_6 : vector<128x8xi32>
    %sign3A_8 = arith.extui %sign3A_7 : vector<128x8xi1> to vector<128x8xi32>
    %sign3A_9 = arith.subi %sign3A_4, %sign3A_8 : vector<128x8xi32>
    %sign3A_10 = arith.constant 0 : i32
    %sign3A_11 = arith.cmpi sgt, %jit3A, %sign3A_10 : i32
    %sign3A_12 = arith.extui %sign3A_11 : i1 to i32
    %sign3A_13 = arith.constant 0 : i32
    %sign3A_14 = arith.cmpi slt, %jit3A, %sign3A_13 : i32
    %sign3A_15 = arith.extui %sign3A_14 : i1 to i32
    %sign3A_16 = arith.subi %sign3A_12, %sign3A_15 : i32
    %ne3A = vector.broadcast %sign3A_16 : i32 to vector<128x8xi32>
    %ne3A_17 = arith.cmpi ne, %sign3A_9, %ne3A : vector<128x8xi32>
    %rem3A = vector.broadcast %jit3A : i32 to vector<128x8xi32>
    %rem3A_18 = arith.remsi %iota3A, %rem3A : vector<128x8xi32>
    %ne3A_19 = arith.constant 0 : i32
    %ne3A_20 = vector.broadcast %ne3A_19 : i32 to vector<128x8xi32>
    %ne3A_21 = arith.cmpi ne, %rem3A_18, %ne3A_20 : vector<128x8xi32>
    %and3A = arith.andi %ne3A_17, %ne3A_21 : vector<128x8xi1>
    %sub3A = arith.constant 1 : i32
    %sub3A_22 = vector.broadcast %sub3A : i32 to vector<128x8xi32>
    %sub3A_23 = arith.subi %div3A_1, %sub3A_22 : vector<128x8xi32>
    %select_n3A = arith.select %and3A, %sub3A_23, %div3A_1 : vector<128x8xi1>, vector<128x8xi32>
    %eq3A = arith.cmpi eq, %select_n3A, %iota3A_0 : vector<128x8xi32>
    %convert_element_type3A = arith.extui %eq3A : vector<128x8xi1> to vector<128x8xi32>
    %convert_element_type3A_24 = arith.sitofp %convert_element_type3A : vector<128x8xi32> to vector<128x8xf32>
    %get3A = arith.constant 0 : index
    %get3A_25 = arith.constant 0 : index
    %get3A_26 = vector.load %arg1[%get3A, %get3A_25] : memref<1152x128xf32, #tpu.memory_space<vmem>>, vector<1152x128xf32>
    %dot_general3A = arith.constant dense<0.000000e+00> : vector<1152x8xf32>
    %dot_general3A_27 = tpu.matmul %get3A_26, %convert_element_type3A_24, %dot_general3A {dimension_numbers = #tpu.dot_dimension_numbers<[1], [0], [0], [1], [0, 0, 1, 1], [], []>, transpose_lhs_hint = false} : vector<1152x128xf32>, vector<128x8xf32>, vector<1152x8xf32> -> vector<1152x8xf32>
    %get3A_28 = arith.constant 0 : index
    %get3A_29 = arith.constant 0 : index
    %get3A_30 = vector.load %arg2[%get3A_28, %get3A_29] : memref<1152x128xf32, #tpu.memory_space<vmem>>, vector<1152x128xf32>
    %dot_general3A_31 = arith.constant dense<0.000000e+00> : vector<1152x8xf32>
    %dot_general3A_32 = tpu.matmul %get3A_30, %convert_element_type3A_24, %dot_general3A_31 {dimension_numbers = #tpu.dot_dimension_numbers<[1], [0], [0], [1], [0, 0, 1, 1], [], []>, transpose_lhs_hint = false} : vector<1152x128xf32>, vector<128x8xf32>, vector<1152x8xf32> -> vector<1152x8xf32>
    %logistic3A = arith.negf %dot_general3A_27 : vector<1152x8xf32>
    %logistic3A_33 = math.exp %logistic3A : vector<1152x8xf32>
    %logistic3A_34 = arith.constant 1.000000e+00 : f32
    %logistic3A_35 = vector.broadcast %logistic3A_34 : f32 to vector<1152x8xf32>
    %logistic3A_36 = arith.addf %logistic3A_35, %logistic3A_33 : vector<1152x8xf32>
    %logistic3A_37 = arith.divf %logistic3A_35, %logistic3A_36 : vector<1152x8xf32>
    %max3A = arith.constant 0.000000e+00 : f32
    %max3A_38 = vector.broadcast %max3A : f32 to vector<1152x8xf32>
    %max3A_39 = arith.maximumf %logistic3A_37, %max3A_38 : vector<1152x8xf32>
    %add3A = arith.constant 1.000000e-15 : f32
    %add3A_40 = vector.broadcast %add3A : f32 to vector<1152x8xf32>
    %add3A_41 = arith.addf %max3A_39, %add3A_40 : vector<1152x8xf32>
    %log3A = math.log %add3A_41 : vector<1152x8xf32>
    %neg3A = arith.constant 0.000000e+00 : f32
    %neg3A_42 = vector.broadcast %neg3A : f32 to vector<1152x8xf32>
    %neg3A_43 = arith.subf %neg3A_42, %log3A : vector<1152x8xf32>
    %logistic3A_44 = arith.negf %dot_general3A_32 : vector<1152x8xf32>
    %logistic3A_45 = math.exp %logistic3A_44 : vector<1152x8xf32>
    %logistic3A_46 = arith.constant 1.000000e+00 : f32
    %logistic3A_47 = vector.broadcast %logistic3A_46 : f32 to vector<1152x8xf32>
    %logistic3A_48 = arith.addf %logistic3A_47, %logistic3A_45 : vector<1152x8xf32>
    %logistic3A_49 = arith.divf %logistic3A_47, %logistic3A_48 : vector<1152x8xf32>
    %sub3A_50 = arith.constant 1.000000e+00 : f32
    %sub3A_51 = vector.broadcast %sub3A_50 : f32 to vector<1152x8xf32>
    %sub3A_52 = arith.subf %sub3A_51, %logistic3A_49 : vector<1152x8xf32>
    %max3A_53 = arith.constant 0.000000e+00 : f32
    %max3A_54 = vector.broadcast %max3A_53 : f32 to vector<1152x8xf32>
    %max3A_55 = arith.maximumf %sub3A_52, %max3A_54 : vector<1152x8xf32>
    %add3A_56 = arith.constant 1.000000e-15 : f32
    %add3A_57 = vector.broadcast %add3A_56 : f32 to vector<1152x8xf32>
    %add3A_58 = arith.addf %max3A_55, %add3A_57 : vector<1152x8xf32>
    %log3A_59 = math.log %add3A_58 : vector<1152x8xf32>
    %neg3A_60 = arith.constant 0.000000e+00 : f32
    %neg3A_61 = vector.broadcast %neg3A_60 : f32 to vector<1152x8xf32>
    %neg3A_62 = arith.subf %neg3A_61, %log3A_59 : vector<1152x8xf32>
    %reduce_sum3A = vector.shape_cast %neg3A_43 : vector<1152x8xf32> to vector<1x1152x8xf32>
    %reduce_sum3A_63 = arith.constant dense<0.000000e+00> : vector<1xf32>
    %reduce_sum3A_64 = vector.multi_reduction <add>, %reduce_sum3A, %reduce_sum3A_63 [1, 2] : vector<1x1152x8xf32> to vector<1xf32>
    %reduce_sum3A_65 = vector.shape_cast %reduce_sum3A_64 : vector<1xf32> to vector<1x1x1xf32>
    %reduce_sum3A_66 = vector.extract %reduce_sum3A_65[0, 0, 0] : f32 from vector<1x1x1xf32>
    %reduce_sum3A_67 = vector.shape_cast %neg3A_62 : vector<1152x8xf32> to vector<1x1152x8xf32>
    %reduce_sum3A_68 = arith.constant dense<0.000000e+00> : vector<1xf32>
    %reduce_sum3A_69 = vector.multi_reduction <add>, %reduce_sum3A_67, %reduce_sum3A_68 [1, 2] : vector<1x1152x8xf32> to vector<1xf32>
    %reduce_sum3A_70 = vector.shape_cast %reduce_sum3A_69 : vector<1xf32> to vector<1x1x1xf32>
    %reduce_sum3A_71 = vector.extract %reduce_sum3A_70[0, 0, 0] : f32 from vector<1x1x1xf32>
    %add3A_72 = arith.addf %reduce_sum3A_66, %reduce_sum3A_71 : f32
    %reshape3A = vector.broadcast %add3A_72 : f32 to vector<1x1xf32>
    %eq3A_73 = arith.constant 0 : i32
    %eq3A_74 = arith.cmpi eq, %arg0, %eq3A_73 : i32
    %convert_element_type3A_75 = arith.extui %eq3A_74 : i1 to i32
    %cond3A = arith.constant 0 : i32
    %cond3A_76 = arith.cmpi ne, %convert_element_type3A_75, %cond3A : i32
    scf.if %cond3A_76 {
      %broadcast_in_dim3A = arith.constant 0.000000e+00 : f32
      %broadcast_in_dim3A_83 = vector.broadcast %broadcast_in_dim3A : f32 to vector<1x1xf32>
      %swap3A_84 = arith.constant 0 : index
      %swap3A_85 = arith.constant 0 : index
      %swap3A_86 = vector.load %arg3[%swap3A_84, %swap3A_85] : memref<1x1xf32, #tpu.memory_space<vmem>>, vector<1x1xf32>
      tpu.vector_store %arg3[%swap3A_84, %swap3A_85], %broadcast_in_dim3A_83 {strides = array<i32>} : memref<1x1xf32, #tpu.memory_space<vmem>>, vector<1x1xf32>,
    } else {
    }
    %get3A_77 = arith.constant 0 : index
    %get3A_78 = arith.constant 0 : index
    %get3A_79 = vector.load %arg3[%get3A_77, %get3A_78] : memref<1x1xf32, #tpu.memory_space<vmem>>, vector<1x1xf32>
    %add3A_80 = arith.addf %get3A_79, %reshape3A : vector<1x1xf32>
    %swap3A = arith.constant 0 : index
    %swap3A_81 = arith.constant 0 : index
    %swap3A_82 = vector.load %arg3[%swap3A, %swap3A_81] : memref<1x1xf32, #tpu.memory_space<vmem>>, vector<1x1xf32>
    tpu.vector_store %arg3[%swap3A, %swap3A_81], %add3A_80 {strides = array<i32>} : memref<1x1xf32, #tpu.memory_space<vmem>>, vector<1x1xf32>,
    return
  }
  func.func @transform_0(%arg0: i32) -> (i32, i32) {
    %c0_i32 = arith.constant 0 : i32
    %c0_i32_0 = arith.constant 0 : i32
    return %arg0, %c0_i32 : i32, i32
  }
  func.func @transform_1(%arg0: i32) -> (i32, i32) {
    %add3A = arith.constant 100 : i32
    %add3A_0 = arith.addi %arg0, %add3A : i32
    %c0_i32 = arith.constant 0 : i32
    %c0_i32_1 = arith.constant 0 : i32
    return %add3A_0, %c0_i32 : i32, i32
  }
  func.func @transform_2(%arg0: i32) -> (i32, i32) {
    %c0_i32 = arith.constant 0 : i32
    %c0_i32_0 = arith.constant 0 : i32
    %c0_i32_1 = arith.constant 0 : i32
    return %c0_i32, %c0_i32_0 : i32, i32
  }
}

</mosaic_0001>

<sc_bundles>
// kernel: kernel.4.cloned.1.call-start
scs
__scs_entry_jumppad:
0x0: {  	(pc) =	sbr.rel $0x88, $3  }
0x1: {  	(tag) =	ssettag $0x0;
	lr =	simm.s32 $0x1  }
0x2: {  	[smem:$0x3F9E] =	sst lr;
	_ =	strace $0xD0000000  }
0x3: {  	_ = 	snop  }
0x4: {  	_ = 	snop  }
0x5: {  	_ = 	snop  }
0x6: {  	_ = 	snop  }
0x7: {  	_ = 	snop  }
__scs_overlays_trampoline_lowered:
0x8: {  	[smem:$0x3FAD] =	sst s0  }
0x9: {  	[smem:$0x3FAE] =	sst s1  }
0xa: {  	[smem:$0x3FAF] =	sst s2  }
0xb: {  	[smem:$0x3FB0] =	sst s3  }
0xc: {  	[smem:$0x3FB1] =	sst s4  }
0xd: {  	[smem:$0x3FB2] =	sst s5  }
0xe: {  	[smem:$0x3FB3] =	sst s6  }
0xf: {  	[smem:$0x3FB4] =	sst s7  }
0x10: {  	[smem:$0x3FB5] =	sst s8  }
0x11: {  	[smem:$0x3FB6] =	sst s9;
	s0 =	simm.s32 @!p0 $0x0  }
0x12: {  	s1 =	sld [smem:$0x3F9C];
	s0 =	simm.s32 @p0 $0x1  }
0x13: {  	[smem:$0x3FB7] =	sst s0;
	s0 =	simm.s32 @!p1 $0x0  }
0x14: {  	s2 =	sld [smem:$0x3F9B];
	s0 =	simm.s32 @p1 $0x1  }
0x15: {  	[smem:$0x3FB8] =	sst s0;
	s0 =	simm.s32 @!p2 $0x0  }
0x16: {  	s3 =	sld [smem:$0x3FDB];
	s0 =	simm.s32 @p2 $0x1  }
0x17: {  	s4 =	simm.s32 $0x1BF5;
	[smem:$0x3FBA] =	sst s0  }
0x18: {  	s0 =	sld [smem:$0x3F9D];
	_ =	swait.ge [sflag:s4], $0x0  }
0x19: {  	s7 =	sld [smem:$0x3F9E]  }
0x1a: {  	s8 =	sadd.s32 $0xFFFFE003, lr  }
0x1b: {  	s9 =	sadd.s32 $0xFFFFFEF7, lr;
	s5 =	simm.s32 $0xFFFFFFFF;
	p2 =	slt.u32 s8, $0xFFFFF086  }
0x1c: {  	p1 =	slt.u32 s9, $0xF7A;
	s5 =	simm.s32 @!p2 $0x0  }
0x1d: {  	s5 =	simm.s32 @p1 $0x1;
	p0 =	seq.s32 s7, s2  }
0x1e: {  	s7 =	smul.u32 @!p0 $0xF7A, s2;
	p2 =	seq.s32 @!p0 s5, $0x0  }
0x1f: {  	s9 =	smul.u32 $0xF7A, s1;
	s8 =	simm.s32 @!p0 $0x1BF5;
	p2 =	por !p2, p0  }
0x20: {  	[sflag:s8] =	ssyncset.s32 @!p0 $0xFFFFF086;
	s6 =	sadd.s32 @!p0 s3, s7;
	s7 =	simm.s32 @!p0 $0x108  }
0x21: {  	s3 =	sadd.s32 s3, s9;
	s6 =	sadd.s32 @!p0 $0x88, s6;
	s7 =	simm.s32 @p2 $0x1082  }
0x22: {  	[simem:s7], [sflag:s8] =	dma.local @!p0 [hbm:s6], $0xF7A  }
0x23: {  	s9 =	sor.u32 $0xD0000000, s2;
	s6 =	simm.s32 $0x108;
	_ =	swait.ge @!p0 [sflag:s8], $0x0  }
0x24: {  	s3 =	sadd.s32 $0x88, s3;
	s6 =	simm.s32 @!p1 $0x1082;
	[sflag:s4] =	ssyncset.s32 $0xFFFFF086  }
0x25: {  	[simem:s6], [sflag:s4] =	dma.local [hbm:s3], $0xF7A  }
0x26: {  	[smem:$0x3F9E] =	sst s1;
	(tag) =	ssettag s2;
	_ =	strace s9  }
0x27: {  	s1 =	sld [smem:$0x3FAE]  }
0x28: {  	s2 =	sld [smem:$0x3FAF]  }
0x29: {  	s4 =	sld [smem:$0x3FB1]  }
0x2a: {  	p0 =	seq.s32 s5, $0x0;
	s5 =	sld [smem:$0x3FB2]  }
0x2b: {  	s6 =	sld [smem:$0x3FB3]  }
0x2c: {  	s7 =	sld [smem:$0x3FB4]  }
0x2d: {  	s3 =	simm.s32 $0x108;
	s8 =	sld [smem:$0x3FB5]  }
0x2e: {  	s3 =	simm.s32 @!p0 $0x1082;
	s9 =	sld [smem:$0x3FB6]  }
0x2f: {  	lr =	sadd.s32 s0, s3;
	s0 =	sld [smem:$0x3FAD]  }
0x30: {  	s3 =	sld [smem:$0x3FB0]  }
0x31: {  	[smem:$0x3FB9] =	sst s10  }
0x32: {  	s10 =	sld [smem:$0x3FB7];
	_ =	sdelay $0x3  }
0x33: {  	p0 =	seq.s32 s10, $0x1;
	s10 =	sld [smem:$0x3FB9];
	_ =	sdelay $0x3  }
0x34: {  	[smem:$0x3FB9] =	sst s10  }
0x35: {  	s10 =	sld [smem:$0x3FB8];
	_ =	sdelay $0x3  }
0x36: {  	p1 =	seq.s32 s10, $0x1;
	s10 =	sld [smem:$0x3FB9];
	_ =	sdelay $0x3  }
0x37: {  	[smem:$0x3FB9] =	sst s10  }
0x38: {  	s10 =	sld [smem:$0x3FBA]  }
0x39: {  	_ = 	snop;
	(pc) =	sbr.ind lr, $3  }
0x3a: {  	_ = 	snop  }
0x3b: {  	_ = 	snop  }
0x3c: {  	p2 =	seq.s32 s10, $0x1;
	s10 =	sld [smem:$0x3FB9]  }
0x3d: {  	_ =	shalt  }
0x3e: {  	_ =	shalt  }
0x3f: {  	_ =	shalt  }
0x40: {  	_ =	shalt  }
0x41: {  	_ =	shalt  }
0x42: {  	_ =	shalt  }
0x43: {  	_ =	shalt  }
0x44: {  	_ =	shalt  }
0x45: {  	_ =	shalt  }
0x46: {  	_ =	shalt  }
0x47: {  	_ =	shalt  }
0x48: {  	_ =	shalt  }
0x49: {  	_ =	shalt  }
0x4a: {  	_ =	shalt  }
0x4b: {  	_ =	shalt  }
0x4c: {  	_ =	shalt  }
0x4d: {  	_ =	shalt  }
0x4e: {  	_ =	shalt  }
0x4f: {  	_ =	shalt  }
0x50: {  	_ =	shalt  }
0x51: {  	_ =	shalt  }
0x52: {  	_ =	shalt  }
0x53: {  	_ =	shalt  }
0x54: {  	_ =	shalt  }
0x55: {  	_ =	shalt  }
0x56: {  	_ =	shalt  }
0x57: {  	_ =	shalt  }
0x58: {  	_ =	shalt  }
0x59: {  	_ =	shalt  }
0x5a: {  	_ =	shalt  }
0x5b: {  	_ =	shalt  }
0x5c: {  	_ =	shalt  }
0x5d: {  	_ =	shalt  }
0x5e: {  	_ =	shalt  }
0x5f: {  	_ =	shalt  }
0x60: {  	_ =	shalt  }
0x61: {  	_ =	shalt  }
0x62: {  	_ =	shalt  }
0x63: {  	_ =	shalt  }
0x64: {  	_ =	shalt  }
0x65: {  	_ =	shalt  }
0x66: {  	_ =	shalt  }
0x67: {  	_ =	shalt  }
0x68: {  	_ =	shalt  }
0x69: {  	_ =	shalt  }
0x6a: {  	_ =	shalt  }
0x6b: {  	_ =	shalt  }
0x6c: {  	_ =	shalt  }
0x6d: {  	_ =	shalt  }
0x6e: {  	_ =	shalt  }
0x6f: {  	_ =	shalt  }
0x70: {  	_ =	shalt  }
0x71: {  	_ =	shalt  }
0x72: {  	_ =	shalt  }
0x73: {  	_ =	shalt  }
0x74: {  	_ =	shalt  }
0x75: {  	_ =	shalt  }
0x76: {  	_ =	shalt  }
0x77: {  	_ =	shalt  }
0x78: {  	_ =	shalt  }
0x79: {  	_ =	shalt  }
0x7a: {  	_ =	shalt  }
0x7b: {  	_ =	shalt  }
0x7c: {  	_ =	shalt  }
0x7d: {  	_ =	shalt  }
0x7e: {  	_ =	shalt  }
0x7f: {  	_ =	shalt  }
0x80: {  	_ =	shalt  }
0x81: {  	_ =	shalt  }
0x82: {  	_ =	shalt  }
0x83: {  	_ =	shalt  }
0x84: {  	_ =	shalt  }
0x85: {  	_ =	shalt  }
0x86: {  	_ =	shalt  }
0x87: {  	_ =	shalt  }
.Lfunc_end0:
.L_simem_size_0:
called_computation_lowered:
.L_overlay_start_0:
0x88: {  	s2 =	sld [smem:$0x3FD9]  }
0x89: {  	s3 =	sld [smem:$0x3FFE];
	_ =	sdelay $0x1  }
0x8a: {  	s1 =	srdreg.scid  }
0x8b: {  	s0 =	sand.u32 $0x1, s1  }
0x8c: {  	s17 =	sshll.u32 s0, $0xA;
	s2 =	sadd.s32 s3, s2  }
0x8d: {  	s2 =	sadd.s32 s2, s17  }
0x8e: {  	[smem:$0x3FC5] =	sst s2  }
0x8f: {  	_ = 	snop  }
0x90: {  	s2 =	sld [smem:$0x3FC7];
	(tm) =	ssettm $0x1  }
0x91: {  	s18 =	sld [smem:$0x3FFB];
	_ =	sdelay $0x3  }
0x92: {  	_ =	strace s18  }
0x93: {  	s3 =	sld [smem:$0x3FFC];
	_ =	sdelay $0x3  }
0x94: {  	_ =	strace s3  }
0x95: {  	s3 =	sld [smem:$0x3FFD];
	_ =	sdelay $0x3  }
0x96: {  	_ =	strace s3  }
0x97: {  	_ =	strace $0x8FFFFFFF  }
0x98: {  	s19 =	sld [smem:$0x3FDB];
	_ =	sdelay $0x1  }
0x99: {  	s4 =	simm.s32 $_scs_section_size  }
0x9a: {  	s5 =	simm.s32 $_size__tile_overlayer_lowered;
	s6 =	simm.s32 $_tile_overlayer_lowered  }
0x9b: {  	s22 =	simm.s32 $0x1BFF;
	s21 =	sshll.u32 s6, $0x1;
	s3 =	sadd.s32 s4, s19  }
0x9c: {  	s7 =	simm.s32 $0x0;
	s20 =	sshll.u32 s5, $0x1;
	s5 =	sadd.s32 s21, s3  }
0x9d: {  	[timem:s7], [sflag:s22] =	dma.local [hbm:s5], s20  }
0x9e: {  	_ =	swait.ge [sflag:s22], s20  }
0x9f: {  	s4 =	ssub.s32 $0x0, s20;
	[sflag:s22] =	ssyncset.done $0x0  }
0xa0: {  	[sflag:s22] =	ssyncadd.s32 s4;
	_ =	sdelay $0x1  }
0xa1: {  	s23 =	simm.s32 $0x1B8B  }
0xa2: {  	_ =	swait.ge [sflag:s23], $0x1  }
0xa3: {  	[sflag:s23] =	ssyncset.done $0x0  }
0xa4: {  	s25 =	simm.s32 $0x1B8E;
	s24 =	sld [smem:$0x3FFE];
	[sflag:s23] =	ssyncadd.s32 $0xFFFFFFFF  }
0xa5: {  	s26 =	simm.s32 $execute0_lowered;
	[smem:$0x3FD2] =	sst s25  }
0xa6: {  	s5 =	sshll.u32 s26, $0x1;
	_ =	strace $0x80000046;
	[dreg:$0x1] =	wrdreg $0xFFFFFFFF  }
0xa7: {  	s28 =	simm.s32 $_size_execute0_lowered;
	s3 =	sadd.s32 s3, s5;
	[dreg:$0x0] =	wrdreg $0x0  }
0xa8: {  	s5 =	sshll.u32 s28, $0x1;
	[dreg:$0x2] =	wrdreg s3  }
0xa9: {  	[dreg:$0x3] =	wrdreg s5  }
0xaa: {  	[dreg:$0x4] =	wrdreg $0xC0  }
0xab: {  	_ =	task [dreg:s7], $0x5FFFF  }
0xac: {  	[dreg:$0x1] =	wrdreg $0xFFFFFFFF  }
0xad: {  	[dreg:$0x0] =	wrdreg $0x60  }
0xae: {  	[dreg:$0x2] =	wrdreg s2  }
0xaf: {  	[dreg:$0x3] =	wrdreg s24  }
0xb0: {  	[dreg:$0x4] =	wrdreg $0x9  }
0xb1: {  	_ =	task.clear_ibuf [dreg:s7], $0x5FFFF;
	_ =	strace $0x90000046  }
0xb2: {  	s29 =	simm.s32 $0x9;
	_ =	strace $0x80000048  }
0xb3: {  	_ =	swait.ge [sflag:s29], $0x1  }
0xb4: {  	[sflag:s29] =	ssyncadd.s32 $0xFFFFFFFF  }
0xb5: {  	_ =	strace $0x90000048  }
0xb6: {  	_ =	sfence  }
0xb7: {  	s30 =	sld [smem:$0x0];
	_ =	sdelay $0x2  }
0xb8: {  	s31 =	sshll.u32 s1, $0xD;
	s1 =	sshrl.u32 s1, $0x2  }
0xb9: {  	s3 =	sand.u32 $0x4000, s31;
	s1 =	sadd.s32 s1, s30  }
0xba: {  	s0 =	sor.u32 s3, s0;
	s1 =	sshll.u32 s1, $0x11  }
0xbb: {  	s0 =	sor.u32 s1, s0  }
0xbc: {  	s0 =	sadd.s32 $0x8F2B, s0  }
0xbd: {  	[sflag:s0] =	ssyncadd.remote.s32 $0x1  }
0xbe: {  	_ =	sfence.sel $0xFFFF  }
0xbf: {  	[dreg:$0x0] =	wrdreg $0xFFFFFFFF;
	(pc) =	sbr.abs _section_cstart, $3  }
0xc0: {  	[dreg:$0x1] =	wrdreg $0xFFFFFFFF  }
0xc1: {  	_ =	task.clear_ibuf [dreg:s7], $0x2FFFF;
	_ =	strace $0x9FFFFFFF  }
0xc2: {  	(tm) =	ssettm $0x7FFFFFFF  }
0xc3: {  	_ =	shalt  }
tec
execute0_lowered:
.L_overlay_start_1:
0x0: {  	(tag) =	ssettag $0x1  }
0x1: {  	s0 =	srdreg.scid;
	s2 =	rddreg [dreg:$0x0]  }
0x2: {  	s1 =	stileid.u32;
	s8 =	rddreg [dreg:$0x1];
	s3 =	simm.s32 $0x0  }
0x3: {  	s10 =	simm.s32 $0x7;
	s11 =	simm.s32 $0x100;
	s12 =	simm.s32 $0x50  }
0x4: {  	s14 =	simm.s32 $0x80;
	s15 =	simm.s32 $0x2A00;
	s16 =	simm.s32 $0x5200  }
0x5: {  	s17 =	simm.s32 $0x180;
	s18 =	simm.s32 $0x7A00;
	s19 =	simm.s32 $0x3  }
0x6: {  	s20 =	simm.s32 $0xA200;
	s21 =	simm.s32 $0x4;
	s22 =	simm.s32 $0xEA00  }
0x7: {  	s23 =	simm.s32 $0x5;
	s24 =	simm.s32 $0x6;
	s25 =	simm.s32 $0x2  }
0x8: {  	s26 =	simm.s32 $0x0;
	s0 =	sand.u32 $0x1, s0;
	s1 =	sshll.u32 s1, $0x1  }
.Ltmp0:
0x9: {  	s1 =	sor.u32 s0, s1;
	s0 =	ssub.s32 $0x2, s0;
	(pc) =	sbr.rel .LBB2_1-.Ltmp0, $4  }
0xa: {  	[smem:$0x7FF] =	sst s3;
	s4 =	smul.u32 $0x3200, s1;
	s5 =	sshrl.u32 s0, $0x1  }
0xb: {  	_ =	strace $0x80000047;
	s0 =	ssub.s32 s0, s5;
	s5 =	smul.u32 $0x190, s1  }
0xc: {  	s7 =	sadd.s32 s4, s8;
	s4 =	sadd.s32 $0x64C00, s8;
	s8 =	sadd.s32 $0xC40, s8  }
0xd: {  	s9 =	smax.u32 s0, $0x1;
	s6 =	sadd.s32 $0xC00, s7;
	s7 =	sadd.s32 $0xC20, s7  }
.LBB2_11:
0xe: {  	s26 =	sadd.s32 $0x1, s26  }
0xf: {  	_ =	swait.ge [sflag:s23], $0x4800;
	p0 =	sne.s32 s26, s9  }
.Ltmp1:
0x10: {  	[sflag:s23] =	ssyncset.done $0x0;
	(pc) =	sbr.rel @!p0 .LBB2_12-.Ltmp1, $4  }
0x11: {  	[sflag:s23] =	ssyncadd.s32 $0xFFFFB800  }
0x12: {  	_ =	swait.ge [sflag:s24], $0x4800  }
0x13: {  	[sflag:s24] =	ssyncset.done $0x0  }
0x14: {  	[sflag:s24] =	ssyncadd.s32 $0xFFFFB800  }
.LBB2_1:
0x15: {  	[tilespmem:s3], [sflag:$0x7] =	stream.linear.gather [hbm4b:s6+s3], $0x100, $0x38;
	[tilespmem:$0x13200] =	vst v63  }
0x16: {  	_ =	swait.ge [sflag:s10], $0x100  }
0x17: {  	[sflag:s10] =	ssyncset.done $0x0  }
0x18: {  	[sflag:s10] =	ssyncadd.s32 $0xFFFFFF00  }
0x19: {  	[tilespmem:s11], [sflag:$0x7] =	stream.linear.gather [hbm4b:s7+s3], $0x100, $0x38;
	[tilespmem:$0x13200] =	vst v63  }
0x1a: {  	_ =	swait.ge [sflag:s10], $0x100  }
0x1b: {  	[sflag:s10] =	ssyncset.done $0x0  }
0x1c: {  	s0 =	simm.s32 $0x200;
	[sflag:s10] =	ssyncadd.s32 $0xFFFFFF00  }
0x1d: {  	[tilespmem:s0], [sflag:$0x3] =	stream.indirect.gather [hbm4b:s2+s12], $0x80, s3, s12, $0xb8;
	[tilespmem:$0x13200] =	vst v63  }
0x1e: {  	_ = 	snop  }
0x1f: {  	[tilespmem:s15], [sflag:$0x3] =	stream.indirect.gather [hbm4b:s2+s12], $0x80, s14, s12, $0xb8;
	[tilespmem:$0x13200] =	vst v63  }
0x20: {  	_ = 	snop  }
0x21: {  	[tilespmem:s16], [sflag:$0x4] =	stream.indirect.gather [hbm4b:s2+s12], $0x80, s11, s12, $0xb8;
	[tilespmem:$0x13200] =	vst v63  }
0x22: {  	s28 =	simm.s32 $0x0  }
0x23: {  	[tilespmem:s18], [sflag:$0x4] =	stream.indirect.gather [hbm4b:s2+s12], $0x80, s17, s12, $0xb8;
	[tilespmem:$0x13200] =	vst v63  }
.LBB2_2:
0x24: {  	p0 =	seq.s32 s28, $0xC7  }
0x25: {  	_ =	swait.ge [sflag:s19], $0x2800;
	p1 =	seq.s32 @!p0 s28, $0x0  }
0x26: {  	[sflag:s19] =	ssyncset.done $0x0;
	p1 =	por p0, !p1  }
.Ltmp2:
0x27: {  	s29 =	sshll.u32 s28, $0x1;
	[sflag:s19] =	ssyncadd.s32 $0xFFFFD800;
	(pc) =	sbr.rel @!p1 .LBB2_3-.Ltmp2, $4  }
0x28: {  	s0 =	sadd.s32 @!p0 s5, s29;
	_ =	swait.ge [sflag:s19], $0x2800  }
0x29: {  	s0 =	sshll.u32 @!p0 s0, $0x5;
	[sflag:s19] =	ssyncset.done $0x0  }
0x2a: {  	s1 =	simm.s32 @!p0 $0x0;
	s0 =	sadd.s32 @!p0 s0, s8;
	[sflag:s19] =	ssyncadd.s32 $0xFFFFD800  }
0x2b: {  	[tilespmem:s1], [sflag:$0x1] =	stream.linear.gather @!p0 [hbm4b:s0+s1], $0x100, $0x38;
	[tilespmem:$0x13200] =	vst v63  }
.Ltmp3:
0x2c: {  	(pc) =	sbr.rel .LBB2_5-.Ltmp3, $4  }
0x2d: {  	_ = 	snop  }
0x2e: {  	_ =	swait.ge [sflag:s23], $0x4800  }
0x2f: {  	[sflag:s23] =	ssyncset.done $0x0  }
0x30: {  	p1 =	por $0x0, $0x0;
	[sflag:s23] =	ssyncadd.s32 $0xFFFFB800  }
.LBB2_3:
0x31: {  	p1 =	por @!p0 $0x1, $0x1  }
.LBB2_5:
0x32: {  	s30 =	simm.s32 $0x480  }
0x33: {  	v1 =	vld [tilespmem:s30+$0xFFFFFD90]  }
0x34: {  	v2 =	vld [tilespmem:s30+$0xFFFFFD80]  }
0x35: {  	v0 =	vld [tilespmem:s30+$0xFFFFFE10]  }
0x36: {  	v6 =	vld [tilespmem:s30+$0xFFFFFE00]  }
0x37: {  	v7 =	vld [tilespmem:s30+$0xFFFFFE20]  }
0x38: {  	v5 =	vld [tilespmem:s30+$0xFFFFFDA0]  }
0x39: {  	v3 =	vld [tilespmem:s30+$0xFFFFFDB0]  }
0x3a: {  	v8 =	vld [tilespmem:s30+$0xFFFFFE30]  }
0x3b: {  	v4 =	vld [tilespmem:s30+$0xFFFFFDC0];
	v6 =	vmul.f32 v6, v2;
	v9 =	vmul.f32 v0, v1  }
0x3c: {  	v10 =	vld [tilespmem:s30+$0xFFFFFE40]  }
0x3d: {  	v0 =	vld [tilespmem:s30+$0xFFFFFDD0];
	v7 =	vmul.f32 v7, v5;
	v6 =	vadd.f32 v9, v6  }
0x3e: {  	v9 =	vld [tilespmem:s30+$0xFFFFFE50]  }
0x3f: {  	v11 =	vld [tilespmem:s30+$0xFFFFFE60];
	v8 =	vmul.f32 v8, v3;
	v7 =	vadd.f32 v7, v6  }
0x40: {  	v6 =	vld [tilespmem:s30+$0xFFFFFDE0]  }
0x41: {  	v12 =	vld [tilespmem:s30+$0xFFFFFE70];
	v10 =	vmul.f32 v10, v4;
	v8 =	vadd.f32 v8, v7  }
0x42: {  	v7 =	vld [tilespmem:s30+$0xFFFFFDF0]  }
0x43: {  	v9 =	vmul.f32 v9, v0;
	v8 =	vadd.f32 v10, v8;
	_ =	sdelay $0x1  }
0x44: {  	v8 =	vadd.f32 v9, v8;
	v9 =	vmul.f32 v11, v6;
	_ =	sdelay $0x1  }
0x45: {  	v8 =	vadd.f32 v9, v8;
	v9 =	vmul.f32 v12, v7;
	_ =	sdelay $0x1  }
0x46: {  	v8 =	vadd.f32 v9, v8  }
0x47: {  	s31 =	simm.s32 $0x0  }
0x48: {  	[tilespmem:s31+$0xA200] =	vst v8  }
0x49: {  	v8 =	vld [tilespmem:s30+$0xFFFFFE80]  }
0x4a: {  	v9 =	vld [tilespmem:s30+$0xFFFFFE90];
	_ =	sdelay $0x1  }
0x4b: {  	v10 =	vld [tilespmem:s30+$0xFFFFFEA0];
	_ =	sdelay $0x1  }
0x4c: {  	v11 =	vld [tilespmem:s30+$0xFFFFFEB0]  }
0x4d: {  	v8 =	vmul.f32 v8, v2;
	v9 =	vmul.f32 v9, v1  }
0x4e: {  	v53 =	vld [tilespmem:s30+$0xFFFFFEC0]  }
0x4f: {  	v8 =	vadd.f32 v9, v8;
	v9 =	vmul.f32 v10, v5  }
0x50: {  	v10 =	vld [tilespmem:s30+$0xFFFFFED0]  }
0x51: {  	v8 =	vadd.f32 v9, v8;
	v9 =	vmul.f32 v11, v3  }
0x52: {  	v11 =	vld [tilespmem:s30+$0xFFFFFEE0]  }
0x53: {  	v8 =	vadd.f32 v9, v8;
	v9 =	vmul.f32 v53, v4  }
0x54: {  	v54 =	vld [tilespmem:s30+$0xFFFFFEF0]  }
0x55: {  	v8 =	vadd.f32 v9, v8;
	v9 =	vmul.f32 v10, v0;
	_ =	sdelay $0x1  }
0x56: {  	v8 =	vadd.f32 v9, v8;
	v9 =	vmul.f32 v11, v6;
	_ =	sdelay $0x1  }
0x57: {  	v8 =	vadd.f32 v9, v8;
	v9 =	vmul.f32 v54, v7;
	_ =	sdelay $0x1  }
0x58: {  	v8 =	vadd.f32 v9, v8;
	_ =	sdelay $0x1  }
0x59: {  	[tilespmem:s31+$0xA280] =	vst v8  }
0x5a: {  	v8 =	vld [tilespmem:s30+$0xFFFFFF00]  }
0x5b: {  	v9 =	vld [tilespmem:s30+$0xFFFFFF10];
	_ =	sdelay $0x1  }
0x5c: {  	v10 =	vld [tilespmem:s30+$0xFFFFFF20];
	_ =	sdelay $0x1  }
0x5d: {  	v11 =	vld [tilespmem:s30+$0xFFFFFF30]  }
0x5e: {  	v8 =	vmul.f32 v8, v2;
	v9 =	vmul.f32 v9, v1  }
0x5f: {  	v55 =	vld [tilespmem:s30+$0xFFFFFF40]  }
0x60: {  	v8 =	vadd.f32 v9, v8;
	v9 =	vmul.f32 v10, v5  }
0x61: {  	v10 =	vld [tilespmem:s30+$0xFFFFFF50]  }
0x62: {  	v8 =	vadd.f32 v9, v8;
	v9 =	vmul.f32 v11, v3  }
0x63: {  	v11 =	vld [tilespmem:s30+$0xFFFFFF60]  }
0x64: {  	v8 =	vadd.f32 v9, v8;
	v9 =	vmul.f32 v55, v4  }
0x65: {  	v56 =	vld [tilespmem:s30+$0xFFFFFF70]  }
0x66: {  	v8 =	vadd.f32 v9, v8;
	v9 =	vmul.f32 v10, v0;
	_ =	sdelay $0x1  }
0x67: {  	v8 =	vadd.f32 v9, v8;
	v9 =	vmul.f32 v11, v6;
	_ =	sdelay $0x1  }
0x68: {  	v8 =	vadd.f32 v9, v8;
	v9 =	vmul.f32 v56, v7;
	_ =	sdelay $0x1  }
0x69: {  	v8 =	vadd.f32 v9, v8;
	_ =	sdelay $0x1  }
0x6a: {  	[tilespmem:s31+$0xA300] =	vst v8  }
0x6b: {  	v8 =	vld [tilespmem:s30+$0xFFFFFF80]  }
0x6c: {  	v9 =	vld [tilespmem:s30+$0xFFFFFF90];
	_ =	sdelay $0x1  }
0x6d: {  	v10 =	vld [tilespmem:s30+$0xFFFFFFA0];
	_ =	sdelay $0x1  }
0x6e: {  	v11 =	vld [tilespmem:s30+$0xFFFFFFB0]  }
0x6f: {  	v8 =	vmul.f32 v8, v2;
	v9 =	vmul.f32 v9, v1  }
0x70: {  	v57 =	vld [tilespmem:s30+$0xFFFFFFC0]  }
0x71: {  	v10 =	vmul.f32 v10, v5;
	v8 =	vadd.f32 v9, v8  }
0x72: {  	v9 =	vld [tilespmem:s30+$0xFFFFFFD0]  }
0x73: {  	v11 =	vmul.f32 v11, v3;
	v8 =	vadd.f32 v10, v8  }
0x74: {  	v10 =	vld [tilespmem:s30+$0xFFFFFFE0]  }
0x75: {  	v8 =	vadd.f32 v11, v8;
	v11 =	vmul.f32 v57, v4  }
0x76: {  	v58 =	vld [tilespmem:s30+$0xFFFFFFF0]  }
0x77: {  	v9 =	vmul.f32 v9, v0;
	v8 =	vadd.f32 v11, v8;
	_ =	sdelay $0x1  }
0x78: {  	v8 =	vadd.f32 v9, v8;
	v9 =	vmul.f32 v10, v6;
	_ =	sdelay $0x1  }
0x79: {  	v8 =	vadd.f32 v9, v8;
	v9 =	vmul.f32 v58, v7;
	_ =	sdelay $0x1  }
0x7a: {  	v8 =	vadd.f32 v9, v8;
	_ =	sdelay $0x1  }
0x7b: {  	[tilespmem:s31+$0xA380] =	vst v8  }
0x7c: {  	v8 =	vld [tilespmem:s30+$0x0]  }
0x7d: {  	v9 =	vld [tilespmem:s30+$0x10];
	_ =	sdelay $0x1  }
0x7e: {  	v10 =	vld [tilespmem:s30+$0x20];
	_ =	sdelay $0x1  }
0x7f: {  	v11 =	vld [tilespmem:s30+$0x30]  }
0x80: {  	v8 =	vmul.f32 v8, v2;
	v9 =	vmul.f32 v9, v1  }
0x81: {  	v59 =	vld [tilespmem:s30+$0x40]  }
0x82: {  	v10 =	vmul.f32 v10, v5;
	v8 =	vadd.f32 v9, v8  }
0x83: {  	v9 =	vld [tilespmem:s30+$0x50]  }
0x84: {  	v8 =	vadd.f32 v10, v8;
	v10 =	vmul.f32 v11, v3  }
0x85: {  	v11 =	vld [tilespmem:s30+$0x60]  }
0x86: {  	v8 =	vadd.f32 v10, v8;
	v10 =	vmul.f32 v59, v4  }
0x87: {  	v60 =	vld [tilespmem:s30+$0x70]  }
0x88: {  	v9 =	vmul.f32 v9, v0;
	v8 =	vadd.f32 v10, v8;
	_ =	sdelay $0x1  }
0x89: {  	v8 =	vadd.f32 v9, v8;
	v9 =	vmul.f32 v11, v6;
	_ =	sdelay $0x1  }
0x8a: {  	v8 =	vadd.f32 v9, v8;
	v9 =	vmul.f32 v60, v7;
	_ =	sdelay $0x1  }
0x8b: {  	v8 =	vadd.f32 v9, v8;
	_ =	sdelay $0x1  }
0x8c: {  	[tilespmem:s31+$0xA400] =	vst v8  }
0x8d: {  	v8 =	vld [tilespmem:s30+$0x80]  }
0x8e: {  	v9 =	vld [tilespmem:s30+$0x90];
	_ =	sdelay $0x1  }
0x8f: {  	v10 =	vld [tilespmem:s30+$0xA0];
	_ =	sdelay $0x1  }
0x90: {  	v11 =	vld [tilespmem:s30+$0xB0]  }
0x91: {  	v8 =	vmul.f32 v8, v2;
	v9 =	vmul.f32 v9, v1  }
0x92: {  	v61 =	vld [tilespmem:s30+$0xC0]  }
0x93: {  	v10 =	vmul.f32 v10, v5;
	v8 =	vadd.f32 v9, v8  }
0x94: {  	v9 =	vld [tilespmem:s30+$0xD0]  }
0x95: {  	v11 =	vmul.f32 v11, v3;
	v8 =	vadd.f32 v10, v8  }
0x96: {  	v10 =	vld [tilespmem:s30+$0xE0]  }
0x97: {  	v12 =	vmul.f32 v61, v4;
	v8 =	vadd.f32 v11, v8  }
0x98: {  	v11 =	vld [tilespmem:s30+$0xF0]  }
0x99: {  	v9 =	vmul.f32 v9, v0;
	v8 =	vadd.f32 v12, v8;
	_ =	sdelay $0x1  }
0x9a: {  	v8 =	vadd.f32 v9, v8;
	v9 =	vmul.f32 v10, v6;
	_ =	sdelay $0x1  }
0x9b: {  	v8 =	vadd.f32 v9, v8;
	v9 =	vmul.f32 v11, v7;
	_ =	sdelay $0x1  }
0x9c: {  	v8 =	vadd.f32 v9, v8;
	_ =	sdelay $0x1  }
0x9d: {  	[tilespmem:s31+$0xA480] =	vst v8  }
0x9e: {  	v8 =	vld [tilespmem:s30+$0x100]  }
0x9f: {  	v9 =	vld [tilespmem:s30+$0x110];
	_ =	sdelay $0x1  }
0xa0: {  	v10 =	vld [tilespmem:s30+$0x120];
	_ =	sdelay $0x1  }
0xa1: {  	v11 =	vld [tilespmem:s30+$0x130]  }
0xa2: {  	v8 =	vmul.f32 v8, v2;
	v9 =	vmul.f32 v9, v1  }
0xa3: {  	v62 =	vld [tilespmem:s30+$0x140]  }
0xa4: {  	v10 =	vmul.f32 v10, v5;
	v8 =	vadd.f32 v9, v8  }
0xa5: {  	v9 =	vld [tilespmem:s30+$0x150]  }
0xa6: {  	v11 =	vmul.f32 v11, v3;
	v8 =	vadd.f32 v10, v8  }
0xa7: {  	v10 =	vld [tilespmem:s30+$0x160]  }
0xa8: {  	v12 =	vmul.f32 v62, v4;
	v8 =	vadd.f32 v11, v8  }
0xa9: {  	v11 =	vld [tilespmem:s30+$0x170]  }
0xaa: {  	v9 =	vmul.f32 v9, v0;
	v8 =	vadd.f32 v12, v8;
	_ =	sdelay $0x1  }
0xab: {  	v8 =	vadd.f32 v9, v8;
	v9 =	vmul.f32 v10, v6;
	_ =	sdelay $0x1  }
0xac: {  	v8 =	vadd.f32 v9, v8;
	v9 =	vmul.f32 v11, v7;
	_ =	sdelay $0x1  }
0xad: {  	v8 =	vadd.f32 v9, v8;
	_ =	sdelay $0x1  }
0xae: {  	[tilespmem:s31+$0xA500] =	vst v8  }
0xaf: {  	v8 =	vld [tilespmem:s30+$0x180]  }
0xb0: {  	v9 =	vld [tilespmem:s30+$0x190];
	_ =	sdelay $0x1  }
0xb1: {  	v10 =	vld [tilespmem:s30+$0x1A0];
	_ =	sdelay $0x1  }
0xb2: {  	v11 =	vld [tilespmem:s30+$0x1B0]  }
0xb3: {  	v8 =	vmul.f32 v8, v2;
	v9 =	vmul.f32 v9, v1  }
0xb4: {  	v63 =	vld [tilespmem:s30+$0x1C0]  }
0xb5: {  	v10 =	vmul.f32 v10, v5;
	v8 =	vadd.f32 v9, v8  }
0xb6: {  	v9 =	vld [tilespmem:s30+$0x1D0]  }
0xb7: {  	v11 =	vmul.f32 v11, v3;
	v8 =	vadd.f32 v10, v8  }
0xb8: {  	v10 =	vld [tilespmem:s30+$0x1E0]  }
0xb9: {  	v12 =	vmul.f32 v63, v4;
	v8 =	vadd.f32 v11, v8  }
0xba: {  	v11 =	vld [tilespmem:s30+$0x1F0]  }
0xbb: {  	v9 =	vmul.f32 v9, v0;
	v8 =	vadd.f32 v12, v8;
	_ =	sdelay $0x1  }
0xbc: {  	v8 =	vadd.f32 v9, v8;
	v9 =	vmul.f32 v10, v6;
	_ =	sdelay $0x1  }
0xbd: {  	v8 =	vadd.f32 v9, v8;
	v9 =	vmul.f32 v11, v7;
	_ =	sdelay $0x1  }
0xbe: {  	v8 =	vadd.f32 v9, v8;
	_ =	sdelay $0x1  }
0xbf: {  	[tilespmem:s31+$0xA580] =	vst v8  }
0xc0: {  	s1 =	simm.s32 $0x1200;
	s0 =	simm.s32 $0x480;
	v8 =	vld [tilespmem:s30+$0x200]  }
.LBB2_6:
0xc1: {  	p2 =	sne.s32 s1, $0x10E00  }
0xc2: {  	v9 =	vld [tilespmem:s30+$0x210];
	s0 =	sadd.s32 $0x500, s0;
	s13 =	smov.u32 s1;
	s1 =	sadd.s32 $0x1200, s1  }
0xc3: {  	v10 =	vld [tilespmem:s30+$0x220]  }
0xc4: {  	v11 =	vld [tilespmem:s30+$0x230]  }
0xc5: {  	v12 =	vld [tilespmem:s30+$0x240]  }
0xc6: {  	v2 =	vmul.f32 v8, v2;
	v8 =	vld [tilespmem:s30+$0x250]  }
0xc7: {  	v1 =	vmul.f32 v9, v1;
	v9 =	vld [tilespmem:s30+$0x260]  }
0xc8: {  	v5 =	vmul.f32 v10, v5;
	v10 =	vld [tilespmem:s30+$0x270];
	s30 =	smov.u32 s0  }
0xc9: {  	v1 =	vadd.f32 v1, v2;
	v2 =	vmul.f32 v11, v3  }
0xca: {  	v3 =	vmul.f32 v12, v4  }
0xcb: {  	v1 =	vadd.f32 v5, v1;
	v0 =	vmul.f32 v8, v0;
	_ =	sdelay $0x1  }
0xcc: {  	v1 =	vadd.f32 v2, v1;
	_ =	sdelay $0x1  }
0xcd: {  	v1 =	vadd.f32 v3, v1;
	_ =	sdelay $0x1  }
0xce: {  	v0 =	vadd.f32 v0, v1;
	v1 =	vmul.f32 v9, v6;
	_ =	sdelay $0x1  }
0xcf: {  	v0 =	vadd.f32 v1, v0;
	v1 =	vmul.f32 v10, v7;
	_ =	sdelay $0x1  }
0xd0: {  	v0 =	vadd.f32 v1, v0;
	_ =	sdelay $0x1  }
0xd1: {  	[tilespmem:s31+$0xA600] =	vst v0  }
0xd2: {  	v1 =	vld [tilespmem:s0+$0xFFFFFD90]  }
0xd3: {  	v2 =	vld [tilespmem:s0+$0xFFFFFD80]  }
0xd4: {  	v6 =	vld [tilespmem:s0+$0xFFFFFE10]  }
0xd5: {  	v0 =	vld [tilespmem:s0+$0xFFFFFDD0]  }
0xd6: {  	v7 =	vld [tilespmem:s0+$0xFFFFFE00]  }
0xd7: {  	v8 =	vld [tilespmem:s0+$0xFFFFFE20]  }
0xd8: {  	v5 =	vld [tilespmem:s0+$0xFFFFFDA0]  }
0xd9: {  	v3 =	vld [tilespmem:s0+$0xFFFFFDB0]  }
0xda: {  	v9 =	vld [tilespmem:s0+$0xFFFFFE30]  }
0xdb: {  	v6 =	vmul.f32 v6, v1;
	v4 =	vld [tilespmem:s0+$0xFFFFFDC0];
	v7 =	vmul.f32 v7, v2  }
0xdc: {  	v10 =	vld [tilespmem:s0+$0xFFFFFE40]  }
0xdd: {  	v6 =	vadd.f32 v6, v7;
	v7 =	vmul.f32 v8, v5  }
0xde: {  	v8 =	vld [tilespmem:s0+$0xFFFFFE50]  }
0xdf: {  	v7 =	vadd.f32 v7, v6;
	v9 =	vmul.f32 v9, v3;
	v11 =	vld [tilespmem:s0+$0xFFFFFE60]  }
0xe0: {  	v6 =	vld [tilespmem:s0+$0xFFFFFDE0]  }
0xe1: {  	v9 =	vadd.f32 v9, v7;
	v10 =	vmul.f32 v10, v4;
	v12 =	vld [tilespmem:s0+$0xFFFFFE70]  }
0xe2: {  	v7 =	vld [tilespmem:s0+$0xFFFFFDF0]  }
0xe3: {  	v9 =	vadd.f32 v10, v9;
	v8 =	vmul.f32 v8, v0;
	_ =	sdelay $0x1  }
0xe4: {  	v8 =	vadd.f32 v8, v9;
	v9 =	vmul.f32 v11, v6;
	_ =	sdelay $0x1  }
0xe5: {  	v8 =	vadd.f32 v9, v8;
	v9 =	vmul.f32 v12, v7;
	_ =	sdelay $0x1  }
0xe6: {  	v8 =	vadd.f32 v9, v8  }
0xe7: {  	s31 =	sshra.s32 s13, $0x2  }
0xe8: {  	[tilespmem:s31+$0xA200] =	vst v8  }
0xe9: {  	v8 =	vld [tilespmem:s0+$0xFFFFFE80]  }
0xea: {  	v9 =	vld [tilespmem:s0+$0xFFFFFE90];
	_ =	sdelay $0x1  }
0xeb: {  	v10 =	vld [tilespmem:s0+$0xFFFFFEA0];
	_ =	sdelay $0x1  }
0xec: {  	v11 =	vld [tilespmem:s0+$0xFFFFFEB0]  }
0xed: {  	v8 =	vmul.f32 v8, v2;
	v9 =	vmul.f32 v9, v1  }
0xee: {  	v12 =	vld [tilespmem:s0+$0xFFFFFEC0]  }
0xef: {  	v8 =	vadd.f32 v9, v8;
	v9 =	vmul.f32 v10, v5  }
0xf0: {  	v10 =	vld [tilespmem:s0+$0xFFFFFED0]  }
0xf1: {  	v8 =	vadd.f32 v9, v8;
	v9 =	vmul.f32 v11, v3  }
0xf2: {  	v11 =	vld [tilespmem:s0+$0xFFFFFEE0]  }
0xf3: {  	v8 =	vadd.f32 v9, v8;
	v9 =	vmul.f32 v12, v4  }
0xf4: {  	v12 =	vld [tilespmem:s0+$0xFFFFFEF0]  }
0xf5: {  	v8 =	vadd.f32 v9, v8;
	v9 =	vmul.f32 v10, v0;
	_ =	sdelay $0x1  }
0xf6: {  	v8 =	vadd.f32 v9, v8;
	v9 =	vmul.f32 v11, v6;
	_ =	sdelay $0x1  }
0xf7: {  	v8 =	vadd.f32 v9, v8;
	v9 =	vmul.f32 v12, v7;
	_ =	sdelay $0x1  }
0xf8: {  	v8 =	vadd.f32 v9, v8;
	_ =	sdelay $0x1  }
0xf9: {  	[tilespmem:s31+$0xA280] =	vst v8  }
0xfa: {  	v8 =	vld [tilespmem:s0+$0xFFFFFF00]  }
0xfb: {  	v9 =	vld [tilespmem:s0+$0xFFFFFF10];
	_ =	sdelay $0x1  }
0xfc: {  	v10 =	vld [tilespmem:s0+$0xFFFFFF20];
	_ =	sdelay $0x1  }
0xfd: {  	v11 =	vld [tilespmem:s0+$0xFFFFFF30]  }
0xfe: {  	v8 =	vmul.f32 v8, v2;
	v9 =	vmul.f32 v9, v1  }
0xff: {  	v12 =	vld [tilespmem:s0+$0xFFFFFF40]  }
0x100: {  	v8 =	vadd.f32 v9, v8;
	v9 =	vmul.f32 v10, v5  }
0x101: {  	v10 =	vld [tilespmem:s0+$0xFFFFFF50]  }
0x102: {  	v8 =	vadd.f32 v9, v8;
	v9 =	vmul.f32 v11, v3  }
0x103: {  	v11 =	vld [tilespmem:s0+$0xFFFFFF60]  }
0x104: {  	v8 =	vadd.f32 v9, v8;
	v9 =	vmul.f32 v12, v4  }
0x105: {  	v12 =	vld [tilespmem:s0+$0xFFFFFF70]  }
0x106: {  	v8 =	vadd.f32 v9, v8;
	v9 =	vmul.f32 v10, v0;
	_ =	sdelay $0x1  }
0x107: {  	v8 =	vadd.f32 v9, v8;
	v9 =	vmul.f32 v11, v6;
	_ =	sdelay $0x1  }
0x108: {  	v8 =	vadd.f32 v9, v8;
	v9 =	vmul.f32 v12, v7;
	_ =	sdelay $0x1  }
0x109: {  	v8 =	vadd.f32 v9, v8;
	_ =	sdelay $0x1  }
0x10a: {  	[tilespmem:s31+$0xA300] =	vst v8  }
0x10b: {  	v8 =	vld [tilespmem:s0+$0xFFFFFF80]  }
0x10c: {  	v9 =	vld [tilespmem:s0+$0xFFFFFF90]  }
0x10d: {  	v10 =	vld [tilespmem:s0+$0xFFFFFFA0]  }
0x10e: {  	v11 =	vld [tilespmem:s0+$0xFFFFFFB0];
	_ =	sdelay $0x1  }
0x10f: {  	v8 =	vmul.f32 v8, v2  }
0x110: {  	v9 =	vmul.f32 v9, v1  }
0x111: {  	v10 =	vmul.f32 v10, v5;
	v12 =	vld [tilespmem:s0+$0xFFFFFFC0]  }
0x112: {  	v8 =	vadd.f32 v9, v8;
	v9 =	vmul.f32 v11, v3  }
0x113: {  	v11 =	vld [tilespmem:s0+$0xFFFFFFD0]  }
0x114: {  	v8 =	vadd.f32 v10, v8  }
0x115: {  	v10 =	vld [tilespmem:s0+$0xFFFFFFE0]  }
0x116: {  	v8 =	vadd.f32 v9, v8;
	v9 =	vmul.f32 v12, v4  }
0x117: {  	v12 =	vld [tilespmem:s0+$0xFFFFFFF0]  }
0x118: {  	v8 =	vadd.f32 v9, v8;
	v9 =	vmul.f32 v11, v0;
	_ =	sdelay $0x1  }
0x119: {  	v8 =	vadd.f32 v9, v8;
	v9 =	vmul.f32 v10, v6;
	_ =	sdelay $0x1  }
0x11a: {  	v8 =	vadd.f32 v9, v8;
	v9 =	vmul.f32 v12, v7;
	_ =	sdelay $0x1  }
0x11b: {  	v8 =	vadd.f32 v9, v8;
	_ =	sdelay $0x1  }
0x11c: {  	[tilespmem:s31+$0xA380] =	vst v8  }
0x11d: {  	v8 =	vld [tilespmem:s0+$0x0]  }
0x11e: {  	v9 =	vld [tilespmem:s0+$0x10]  }
0x11f: {  	v10 =	vld [tilespmem:s0+$0x20];
	_ =	sdelay $0x2  }
0x120: {  	v11 =	vld [tilespmem:s0+$0x30]  }
0x121: {  	v8 =	vmul.f32 v8, v2;
	v9 =	vmul.f32 v9, v1  }
0x122: {  	v10 =	vmul.f32 v10, v5;
	v12 =	vld [tilespmem:s0+$0x40]  }
0x123: {  	v8 =	vadd.f32 v9, v8  }
0x124: {  	v9 =	vld [tilespmem:s0+$0x50]  }
0x125: {  	v8 =	vadd.f32 v10, v8;
	v10 =	vmul.f32 v11, v3  }
0x126: {  	v11 =	vld [tilespmem:s0+$0x60]  }
0x127: {  	v8 =	vadd.f32 v10, v8;
	v10 =	vmul.f32 v12, v4  }
0x128: {  	v12 =	vld [tilespmem:s0+$0x70]  }
0x129: {  	v8 =	vadd.f32 v10, v8;
	v9 =	vmul.f32 v9, v0;
	_ =	sdelay $0x1  }
0x12a: {  	v8 =	vadd.f32 v9, v8;
	v9 =	vmul.f32 v11, v6;
	_ =	sdelay $0x1  }
0x12b: {  	v8 =	vadd.f32 v9, v8;
	v9 =	vmul.f32 v12, v7;
	_ =	sdelay $0x1  }
0x12c: {  	v8 =	vadd.f32 v9, v8;
	_ =	sdelay $0x1  }
0x12d: {  	[tilespmem:s31+$0xA400] =	vst v8  }
0x12e: {  	v8 =	vld [tilespmem:s0+$0x80]  }
0x12f: {  	v9 =	vld [tilespmem:s0+$0x90]  }
0x130: {  	v10 =	vld [tilespmem:s0+$0xA0]  }
0x131: {  	v11 =	vld [tilespmem:s0+$0xB0]  }
0x132: {  	v12 =	vld [tilespmem:s0+$0xC0]  }
0x133: {  	v8 =	vmul.f32 v8, v2;
	v13 =	vld [tilespmem:s0+$0xD0]  }
0x134: {  	v9 =	vmul.f32 v9, v1;
	v14 =	vld [tilespmem:s0+$0xE0]  }
0x135: {  	v10 =	vmul.f32 v10, v5;
	v15 =	vld [tilespmem:s0+$0xF0]  }
0x136: {  	v8 =	vadd.f32 v9, v8;
	v9 =	vmul.f32 v11, v3  }
0x137: {  	v11 =	vmul.f32 v12, v4  }
0x138: {  	v8 =	vadd.f32 v10, v8;
	v10 =	vmul.f32 v13, v0;
	_ =	sdelay $0x1  }
0x139: {  	v8 =	vadd.f32 v9, v8;
	_ =	sdelay $0x1  }
0x13a: {  	v8 =	vadd.f32 v11, v8;
	_ =	sdelay $0x1  }
0x13b: {  	v9 =	vmul.f32 v14, v6;
	v8 =	vadd.f32 v10, v8;
	_ =	sdelay $0x1  }
0x13c: {  	v8 =	vadd.f32 v9, v8;
	v9 =	vmul.f32 v15, v7;
	_ =	sdelay $0x1  }
0x13d: {  	v8 =	vadd.f32 v9, v8;
	_ =	sdelay $0x1  }
0x13e: {  	[tilespmem:s31+$0xA480] =	vst v8  }
0x13f: {  	v8 =	vld [tilespmem:s0+$0x100]  }
0x140: {  	v9 =	vld [tilespmem:s0+$0x110]  }
0x141: {  	v10 =	vld [tilespmem:s0+$0x120]  }
0x142: {  	v11 =	vld [tilespmem:s0+$0x130]  }
0x143: {  	v12 =	vld [tilespmem:s0+$0x140]  }
0x144: {  	v13 =	vld [tilespmem:s0+$0x150]  }
0x145: {  	v8 =	vmul.f32 v8, v2;
	v9 =	vmul.f32 v9, v1;
	v14 =	vld [tilespmem:s0+$0x160]  }
0x146: {  	v10 =	vmul.f32 v10, v5;
	v15 =	vld [tilespmem:s0+$0x170]  }
0x147: {  	v8 =	vadd.f32 v9, v8;
	v9 =	vmul.f32 v11, v3  }
0x148: {  	v11 =	vmul.f32 v12, v4  }
0x149: {  	v8 =	vadd.f32 v10, v8;
	v10 =	vmul.f32 v13, v0;
	_ =	sdelay $0x1  }
0x14a: {  	v8 =	vadd.f32 v9, v8;
	_ =	sdelay $0x1  }
0x14b: {  	v8 =	vadd.f32 v11, v8;
	_ =	sdelay $0x1  }
0x14c: {  	v9 =	vmul.f32 v14, v6;
	v8 =	vadd.f32 v10, v8;
	_ =	sdelay $0x1  }
0x14d: {  	v8 =	vadd.f32 v9, v8;
	v9 =	vmul.f32 v15, v7;
	_ =	sdelay $0x1  }
0x14e: {  	v8 =	vadd.f32 v9, v8;
	_ =	sdelay $0x1  }
0x14f: {  	[tilespmem:s31+$0xA500] =	vst v8  }
0x150: {  	v8 =	vld [tilespmem:s0+$0x180]  }
0x151: {  	v9 =	vld [tilespmem:s0+$0x190]  }
0x152: {  	v10 =	vld [tilespmem:s0+$0x1A0]  }
0x153: {  	v11 =	vld [tilespmem:s0+$0x1B0]  }
0x154: {  	v12 =	vld [tilespmem:s0+$0x1C0]  }
0x155: {  	v8 =	vmul.f32 v8, v2;
	v13 =	vld [tilespmem:s0+$0x1D0]  }
0x156: {  	v9 =	vmul.f32 v9, v1;
	v14 =	vld [tilespmem:s0+$0x1E0]  }
0x157: {  	v10 =	vmul.f32 v10, v5;
	v15 =	vld [tilespmem:s0+$0x1F0]  }
0x158: {  	v8 =	vadd.f32 v9, v8;
	v9 =	vmul.f32 v11, v3  }
0x159: {  	v11 =	vmul.f32 v12, v4  }
0x15a: {  	v8 =	vadd.f32 v10, v8;
	v10 =	vmul.f32 v13, v0;
	_ =	sdelay $0x1  }
0x15b: {  	v8 =	vadd.f32 v9, v8;
	_ =	sdelay $0x1  }
0x15c: {  	v8 =	vadd.f32 v11, v8;
	_ =	sdelay $0x1  }
0x15d: {  	v9 =	vmul.f32 v14, v6;
	v8 =	vadd.f32 v10, v8;
	_ =	sdelay $0x1  }
0x15e: {  	v8 =	vadd.f32 v9, v8;
	v9 =	vmul.f32 v15, v7  }
.Ltmp4:
0x15f: {  	(pc) =	sbr.rel @p2 .LBB2_6-.Ltmp4, $3  }
0x160: {  	v8 =	vadd.f32 v9, v8;
	_ =	sdelay $0x1  }
0x161: {  	[tilespmem:s31+$0xA580] =	vst v8  }
0x162: {  	v8 =	vld [tilespmem:s0+$0x200]  }
0x163: {  	v9 =	vld [tilespmem:s30+$0x210];
	_ =	sdelay $0x1  }
0x164: {  	v10 =	vld [tilespmem:s30+$0x220];
	_ =	sdelay $0x1  }
0x165: {  	v11 =	vld [tilespmem:s30+$0x230]  }
0x166: {  	v2 =	vmul.f32 v8, v2;
	v1 =	vmul.f32 v9, v1  }
0x167: {  	v8 =	vld [tilespmem:s30+$0x240]  }
0x168: {  	v5 =	vmul.f32 v10, v5;
	v1 =	vadd.f32 v1, v2  }
0x169: {  	v2 =	vld [tilespmem:s30+$0x250]  }
0x16a: {  	v3 =	vmul.f32 v11, v3;
	v1 =	vadd.f32 v5, v1  }
0x16b: {  	v5 =	vld [tilespmem:s30+$0x260]  }
0x16c: {  	v4 =	vmul.f32 v8, v4;
	v1 =	vadd.f32 v3, v1  }
0x16d: {  	v3 =	vld [tilespmem:s30+$0x270]  }
0x16e: {  	v0 =	vmul.f32 v2, v0;
	v1 =	vadd.f32 v4, v1;
	_ =	sdelay $0x1  }
0x16f: {  	v0 =	vadd.f32 v0, v1;
	v1 =	vmul.f32 v5, v6;
	_ =	sdelay $0x1  }
0x170: {  	v0 =	vadd.f32 v1, v0;
	v1 =	vmul.f32 v3, v7  }
0x171: {  	s0 =	sadd.s32 s5, s29  }
0x172: {  	s0 =	smul.u32 $0x900, s0;
	v0 =	vadd.f32 v1, v0;
	_ =	sdelay $0x1  }
0x173: {  	s0 =	sadd.s32 s4, s0;
	[tilespmem:s31+$0xA600] =	vst v0  }
0x174: {  	[hbm4b:s0+s3] =	stream.linear.scatter [tilespmem:s20], [sflag:$0x5], $0x4800, $0x38;
	[tilespmem:$0x13200] =	vst v63  }
0x175: {  	s0 =	simm.s32 @!p0 $0x1  }
0x176: {  	_ =	swait.ge @!p0 [sflag:s0], $0x100  }
0x177: {  	s1 =	simm.s32 @!p0 $0x0;
	[sflag:s0] =	ssyncset.done @!p0 $0x0  }
0x178: {  	s13 =	simm.s32 @!p0 $0x200;
	[sflag:s0] =	ssyncadd.s32 @!p0 $0xFFFFFF00;
	s0 =	simm.s32 @!p0 $0x50  }
0x179: {  	[tilespmem:s13], [sflag:$0x3] =	stream.indirect.gather @!p0 [hbm4b:s2+s0], $0x80, s1, s0, $0xb8;
	[tilespmem:$0x13200] =	vst v63  }
0x17a: {  	s30 =	simm.s32 @!p0 $0x2A00;
	s13 =	simm.s32 @!p0 $0x80  }
0x17b: {  	[tilespmem:s30], [sflag:$0x3] =	stream.indirect.gather @!p0 [hbm4b:s2+s0], $0x80, s13, s0, $0xb8;
	[tilespmem:$0x13200] =	vst v63  }
0x17c: {  	_ =	swait.ge [sflag:s21], $0x2800  }
0x17d: {  	[sflag:s21] =	ssyncset.done $0x0  }
0x17e: {  	s29 =	sor.u32 $0x1, s29;
	[sflag:s21] =	ssyncadd.s32 $0xFFFFD800  }
0x17f: {  	s0 =	sadd.s32 @!p0 s5, s29;
	_ =	swait.ge [sflag:s21], $0x2800  }
0x180: {  	s0 =	sshll.u32 @!p0 s0, $0x5;
	[sflag:s21] =	ssyncset.done $0x0  }
0x181: {  	s13 =	simm.s32 @!p0 $0x100;
	s0 =	sadd.s32 @!p0 s0, s8;
	[sflag:s21] =	ssyncadd.s32 $0xFFFFD800  }
0x182: {  	[tilespmem:s13], [sflag:$0x2] =	stream.linear.gather @!p0 [hbm4b:s0+s1], $0x100, $0x38;
	[tilespmem:$0x13200] =	vst v63  }
0x183: {  	s0 =	simm.s32 @!p1 $0x6  }
0x184: {  	_ =	swait.ge @!p1 [sflag:s0], $0x4800  }
0x185: {  	[sflag:s0] =	ssyncset.done @!p1 $0x0  }
0x186: {  	s30 =	simm.s32 $0x5480;
	[sflag:s0] =	ssyncadd.s32 @!p1 $0xFFFFB800  }
0x187: {  	v1 =	vld [tilespmem:s30+$0xFFFFFD90]  }
0x188: {  	v2 =	vld [tilespmem:s30+$0xFFFFFD80]  }
0x189: {  	v0 =	vld [tilespmem:s30+$0xFFFFFE10]  }
0x18a: {  	v6 =	vld [tilespmem:s30+$0xFFFFFE00]  }
0x18b: {  	v7 =	vld [tilespmem:s30+$0xFFFFFE20]  }
0x18c: {  	v5 =	vld [tilespmem:s30+$0xFFFFFDA0]  }
0x18d: {  	v3 =	vld [tilespmem:s30+$0xFFFFFDB0]  }
0x18e: {  	v8 =	vld [tilespmem:s30+$0xFFFFFE30]  }
0x18f: {  	v4 =	vld [tilespmem:s30+$0xFFFFFDC0];
	v6 =	vmul.f32 v6, v2;
	v9 =	vmul.f32 v0, v1  }
0x190: {  	v10 =	vld [tilespmem:s30+$0xFFFFFE40]  }
0x191: {  	v0 =	vld [tilespmem:s30+$0xFFFFFDD0];
	v7 =	vmul.f32 v7, v5;
	v6 =	vadd.f32 v9, v6  }
0x192: {  	v9 =	vld [tilespmem:s30+$0xFFFFFE50]  }
0x193: {  	v11 =	vld [tilespmem:s30+$0xFFFFFE60];
	v8 =	vmul.f32 v8, v3;
	v7 =	vadd.f32 v7, v6  }
0x194: {  	v6 =	vld [tilespmem:s30+$0xFFFFFDE0]  }
0x195: {  	v12 =	vld [tilespmem:s30+$0xFFFFFE70];
	v10 =	vmul.f32 v10, v4;
	v8 =	vadd.f32 v8, v7  }
0x196: {  	v7 =	vld [tilespmem:s30+$0xFFFFFDF0]  }
0x197: {  	v9 =	vmul.f32 v9, v0;
	v8 =	vadd.f32 v10, v8;
	_ =	sdelay $0x1  }
0x198: {  	v8 =	vadd.f32 v9, v8;
	v9 =	vmul.f32 v11, v6;
	_ =	sdelay $0x1  }
0x199: {  	v8 =	vadd.f32 v9, v8;
	v9 =	vmul.f32 v12, v7;
	_ =	sdelay $0x1  }
0x19a: {  	v8 =	vadd.f32 v9, v8  }
0x19b: {  	s31 =	simm.s32 $0x0  }
0x19c: {  	[tilespmem:s31+$0xEA00] =	vst v8  }
0x19d: {  	v8 =	vld [tilespmem:s30+$0xFFFFFE80]  }
0x19e: {  	v9 =	vld [tilespmem:s30+$0xFFFFFE90];
	_ =	sdelay $0x1  }
0x19f: {  	v10 =	vld [tilespmem:s30+$0xFFFFFEA0];
	_ =	sdelay $0x1  }
0x1a0: {  	v11 =	vld [tilespmem:s30+$0xFFFFFEB0]  }
0x1a1: {  	v8 =	vmul.f32 v8, v2;
	v9 =	vmul.f32 v9, v1  }
0x1a2: {  	v53 =	vld [tilespmem:s30+$0xFFFFFEC0]  }
0x1a3: {  	v8 =	vadd.f32 v9, v8;
	v9 =	vmul.f32 v10, v5  }
0x1a4: {  	v10 =	vld [tilespmem:s30+$0xFFFFFED0]  }
0x1a5: {  	v8 =	vadd.f32 v9, v8;
	v9 =	vmul.f32 v11, v3  }
0x1a6: {  	v11 =	vld [tilespmem:s30+$0xFFFFFEE0]  }
0x1a7: {  	v8 =	vadd.f32 v9, v8;
	v9 =	vmul.f32 v53, v4  }
0x1a8: {  	v54 =	vld [tilespmem:s30+$0xFFFFFEF0]  }
0x1a9: {  	v8 =	vadd.f32 v9, v8;
	v9 =	vmul.f32 v10, v0;
	_ =	sdelay $0x1  }
0x1aa: {  	v8 =	vadd.f32 v9, v8;
	v9 =	vmul.f32 v11, v6;
	_ =	sdelay $0x1  }
0x1ab: {  	v8 =	vadd.f32 v9, v8;
	v9 =	vmul.f32 v54, v7;
	_ =	sdelay $0x1  }
0x1ac: {  	v8 =	vadd.f32 v9, v8;
	_ =	sdelay $0x1  }
0x1ad: {  	[tilespmem:s31+$0xEA80] =	vst v8  }
0x1ae: {  	v8 =	vld [tilespmem:s30+$0xFFFFFF00]  }
0x1af: {  	v9 =	vld [tilespmem:s30+$0xFFFFFF10];
	_ =	sdelay $0x1  }
0x1b0: {  	v10 =	vld [tilespmem:s30+$0xFFFFFF20];
	_ =	sdelay $0x1  }
0x1b1: {  	v11 =	vld [tilespmem:s30+$0xFFFFFF30]  }
0x1b2: {  	v8 =	vmul.f32 v8, v2;
	v9 =	vmul.f32 v9, v1  }
0x1b3: {  	v55 =	vld [tilespmem:s30+$0xFFFFFF40]  }
0x1b4: {  	v8 =	vadd.f32 v9, v8;
	v9 =	vmul.f32 v10, v5  }
0x1b5: {  	v10 =	vld [tilespmem:s30+$0xFFFFFF50]  }
0x1b6: {  	v8 =	vadd.f32 v9, v8;
	v9 =	vmul.f32 v11, v3  }
0x1b7: {  	v11 =	vld [tilespmem:s30+$0xFFFFFF60]  }
0x1b8: {  	v8 =	vadd.f32 v9, v8;
	v9 =	vmul.f32 v55, v4  }
0x1b9: {  	v56 =	vld [tilespmem:s30+$0xFFFFFF70]  }
0x1ba: {  	v8 =	vadd.f32 v9, v8;
	v9 =	vmul.f32 v10, v0;
	_ =	sdelay $0x1  }
0x1bb: {  	v8 =	vadd.f32 v9, v8;
	v9 =	vmul.f32 v11, v6;
	_ =	sdelay $0x1  }
0x1bc: {  	v8 =	vadd.f32 v9, v8;
	v9 =	vmul.f32 v56, v7;
	_ =	sdelay $0x1  }
0x1bd: {  	v8 =	vadd.f32 v9, v8;
	_ =	sdelay $0x1  }
0x1be: {  	[tilespmem:s31+$0xEB00] =	vst v8  }
0x1bf: {  	v8 =	vld [tilespmem:s30+$0xFFFFFF80]  }
0x1c0: {  	v9 =	vld [tilespmem:s30+$0xFFFFFF90];
	_ =	sdelay $0x1  }
0x1c1: {  	v10 =	vld [tilespmem:s30+$0xFFFFFFA0];
	_ =	sdelay $0x1  }
0x1c2: {  	v11 =	vld [tilespmem:s30+$0xFFFFFFB0]  }
0x1c3: {  	v8 =	vmul.f32 v8, v2;
	v9 =	vmul.f32 v9, v1  }
0x1c4: {  	v57 =	vld [tilespmem:s30+$0xFFFFFFC0]  }
0x1c5: {  	v10 =	vmul.f32 v10, v5;
	v8 =	vadd.f32 v9, v8  }
0x1c6: {  	v9 =	vld [tilespmem:s30+$0xFFFFFFD0]  }
0x1c7: {  	v11 =	vmul.f32 v11, v3;
	v8 =	vadd.f32 v10, v8  }
0x1c8: {  	v10 =	vld [tilespmem:s30+$0xFFFFFFE0]  }
0x1c9: {  	v8 =	vadd.f32 v11, v8;
	v11 =	vmul.f32 v57, v4  }
0x1ca: {  	v58 =	vld [tilespmem:s30+$0xFFFFFFF0]  }
0x1cb: {  	v9 =	vmul.f32 v9, v0;
	v8 =	vadd.f32 v11, v8;
	_ =	sdelay $0x1  }
0x1cc: {  	v8 =	vadd.f32 v9, v8;
	v9 =	vmul.f32 v10, v6;
	_ =	sdelay $0x1  }
0x1cd: {  	v8 =	vadd.f32 v9, v8;
	v9 =	vmul.f32 v58, v7;
	_ =	sdelay $0x1  }
0x1ce: {  	v8 =	vadd.f32 v9, v8;
	_ =	sdelay $0x1  }
0x1cf: {  	[tilespmem:s31+$0xEB80] =	vst v8  }
0x1d0: {  	v8 =	vld [tilespmem:s30+$0x0]  }
0x1d1: {  	v9 =	vld [tilespmem:s30+$0x10];
	_ =	sdelay $0x1  }
0x1d2: {  	v10 =	vld [tilespmem:s30+$0x20];
	_ =	sdelay $0x1  }
0x1d3: {  	v11 =	vld [tilespmem:s30+$0x30]  }
0x1d4: {  	v8 =	vmul.f32 v8, v2;
	v9 =	vmul.f32 v9, v1  }
0x1d5: {  	v59 =	vld [tilespmem:s30+$0x40]  }
0x1d6: {  	v10 =	vmul.f32 v10, v5;
	v8 =	vadd.f32 v9, v8  }
0x1d7: {  	v9 =	vld [tilespmem:s30+$0x50]  }
0x1d8: {  	v8 =	vadd.f32 v10, v8;
	v10 =	vmul.f32 v11, v3  }
0x1d9: {  	v11 =	vld [tilespmem:s30+$0x60]  }
0x1da: {  	v8 =	vadd.f32 v10, v8;
	v10 =	vmul.f32 v59, v4  }
0x1db: {  	v60 =	vld [tilespmem:s30+$0x70]  }
0x1dc: {  	v9 =	vmul.f32 v9, v0;
	v8 =	vadd.f32 v10, v8;
	_ =	sdelay $0x1  }
0x1dd: {  	v8 =	vadd.f32 v9, v8;
	v9 =	vmul.f32 v11, v6;
	_ =	sdelay $0x1  }
0x1de: {  	v8 =	vadd.f32 v9, v8;
	v9 =	vmul.f32 v60, v7;
	_ =	sdelay $0x1  }
0x1df: {  	v8 =	vadd.f32 v9, v8;
	_ =	sdelay $0x1  }
0x1e0: {  	[tilespmem:s31+$0xEC00] =	vst v8  }
0x1e1: {  	v8 =	vld [tilespmem:s30+$0x80]  }
0x1e2: {  	v9 =	vld [tilespmem:s30+$0x90];
	_ =	sdelay $0x1  }
0x1e3: {  	v10 =	vld [tilespmem:s30+$0xA0];
	_ =	sdelay $0x1  }
0x1e4: {  	v11 =	vld [tilespmem:s30+$0xB0]  }
0x1e5: {  	v8 =	vmul.f32 v8, v2;
	v9 =	vmul.f32 v9, v1  }
0x1e6: {  	v61 =	vld [tilespmem:s30+$0xC0]  }
0x1e7: {  	v10 =	vmul.f32 v10, v5;
	v8 =	vadd.f32 v9, v8  }
0x1e8: {  	v9 =	vld [tilespmem:s30+$0xD0]  }
0x1e9: {  	v11 =	vmul.f32 v11, v3;
	v8 =	vadd.f32 v10, v8  }
0x1ea: {  	v10 =	vld [tilespmem:s30+$0xE0]  }
0x1eb: {  	v12 =	vmul.f32 v61, v4;
	v8 =	vadd.f32 v11, v8  }
0x1ec: {  	v11 =	vld [tilespmem:s30+$0xF0]  }
0x1ed: {  	v9 =	vmul.f32 v9, v0;
	v8 =	vadd.f32 v12, v8;
	_ =	sdelay $0x1  }
0x1ee: {  	v8 =	vadd.f32 v9, v8;
	v9 =	vmul.f32 v10, v6;
	_ =	sdelay $0x1  }
0x1ef: {  	v8 =	vadd.f32 v9, v8;
	v9 =	vmul.f32 v11, v7;
	_ =	sdelay $0x1  }
0x1f0: {  	v8 =	vadd.f32 v9, v8;
	_ =	sdelay $0x1  }
0x1f1: {  	[tilespmem:s31+$0xEC80] =	vst v8  }
0x1f2: {  	v8 =	vld [tilespmem:s30+$0x100]  }
0x1f3: {  	v9 =	vld [tilespmem:s30+$0x110];
	_ =	sdelay $0x1  }
0x1f4: {  	v10 =	vld [tilespmem:s30+$0x120];
	_ =	sdelay $0x1  }
0x1f5: {  	v11 =	vld [tilespmem:s30+$0x130]  }
0x1f6: {  	v8 =	vmul.f32 v8, v2;
	v9 =	vmul.f32 v9, v1  }
0x1f7: {  	v62 =	vld [tilespmem:s30+$0x140]  }
0x1f8: {  	v10 =	vmul.f32 v10, v5;
	v8 =	vadd.f32 v9, v8  }
0x1f9: {  	v9 =	vld [tilespmem:s30+$0x150]  }
0x1fa: {  	v11 =	vmul.f32 v11, v3;
	v8 =	vadd.f32 v10, v8  }
0x1fb: {  	v10 =	vld [tilespmem:s30+$0x160]  }
0x1fc: {  	v12 =	vmul.f32 v62, v4;
	v8 =	vadd.f32 v11, v8  }
0x1fd: {  	v11 =	vld [tilespmem:s30+$0x170]  }
0x1fe: {  	v9 =	vmul.f32 v9, v0;
	v8 =	vadd.f32 v12, v8;
	_ =	sdelay $0x1  }
0x1ff: {  	v8 =	vadd.f32 v9, v8;
	v9 =	vmul.f32 v10, v6;
	_ =	sdelay $0x1  }
0x200: {  	v8 =	vadd.f32 v9, v8;
	v9 =	vmul.f32 v11, v7;
	_ =	sdelay $0x1  }
0x201: {  	v8 =	vadd.f32 v9, v8;
	_ =	sdelay $0x1  }
0x202: {  	[tilespmem:s31+$0xED00] =	vst v8  }
0x203: {  	v8 =	vld [tilespmem:s30+$0x180]  }
0x204: {  	v9 =	vld [tilespmem:s30+$0x190];
	_ =	sdelay $0x1  }
0x205: {  	v10 =	vld [tilespmem:s30+$0x1A0];
	_ =	sdelay $0x1  }
0x206: {  	v11 =	vld [tilespmem:s30+$0x1B0]  }
0x207: {  	v8 =	vmul.f32 v8, v2;
	v9 =	vmul.f32 v9, v1  }
0x208: {  	v63 =	vld [tilespmem:s30+$0x1C0]  }
0x209: {  	v10 =	vmul.f32 v10, v5;
	v8 =	vadd.f32 v9, v8  }
0x20a: {  	v9 =	vld [tilespmem:s30+$0x1D0]  }
0x20b: {  	v11 =	vmul.f32 v11, v3;
	v8 =	vadd.f32 v10, v8  }
0x20c: {  	v10 =	vld [tilespmem:s30+$0x1E0]  }
0x20d: {  	v12 =	vmul.f32 v63, v4;
	v8 =	vadd.f32 v11, v8  }
0x20e: {  	v11 =	vld [tilespmem:s30+$0x1F0]  }
0x20f: {  	v9 =	vmul.f32 v9, v0;
	v8 =	vadd.f32 v12, v8;
	_ =	sdelay $0x1  }
0x210: {  	v8 =	vadd.f32 v9, v8;
	v9 =	vmul.f32 v10, v6;
	_ =	sdelay $0x1  }
0x211: {  	v8 =	vadd.f32 v9, v8;
	v9 =	vmul.f32 v11, v7;
	_ =	sdelay $0x1  }
0x212: {  	v8 =	vadd.f32 v9, v8;
	_ =	sdelay $0x1  }
0x213: {  	[tilespmem:s31+$0xED80] =	vst v8  }
0x214: {  	s1 =	simm.s32 $0x1200;
	s0 =	simm.s32 $0x5480;
	v8 =	vld [tilespmem:s30+$0x200]  }
.LBB2_8:
0x215: {  	p1 =	sne.s32 s1, $0x10E00  }
0x216: {  	v9 =	vld [tilespmem:s30+$0x210];
	s0 =	sadd.s32 $0x500, s0;
	s13 =	smov.u32 s1;
	s1 =	sadd.s32 $0x1200, s1  }
0x217: {  	v10 =	vld [tilespmem:s30+$0x220]  }
0x218: {  	v11 =	vld [tilespmem:s30+$0x230]  }
0x219: {  	v12 =	vld [tilespmem:s30+$0x240]  }
0x21a: {  	v2 =	vmul.f32 v8, v2;
	v8 =	vld [tilespmem:s30+$0x250]  }
0x21b: {  	v1 =	vmul.f32 v9, v1;
	v9 =	vld [tilespmem:s30+$0x260]  }
0x21c: {  	v5 =	vmul.f32 v10, v5;
	v10 =	vld [tilespmem:s30+$0x270];
	s30 =	smov.u32 s0  }
0x21d: {  	v1 =	vadd.f32 v1, v2;
	v2 =	vmul.f32 v11, v3  }
0x21e: {  	v3 =	vmul.f32 v12, v4  }
0x21f: {  	v1 =	vadd.f32 v5, v1;
	v0 =	vmul.f32 v8, v0;
	_ =	sdelay $0x1  }
0x220: {  	v1 =	vadd.f32 v2, v1;
	_ =	sdelay $0x1  }
0x221: {  	v1 =	vadd.f32 v3, v1;
	_ =	sdelay $0x1  }
0x222: {  	v0 =	vadd.f32 v0, v1;
	v1 =	vmul.f32 v9, v6;
	_ =	sdelay $0x1  }
0x223: {  	v0 =	vadd.f32 v1, v0;
	v1 =	vmul.f32 v10, v7;
	_ =	sdelay $0x1  }
0x224: {  	v0 =	vadd.f32 v1, v0;
	_ =	sdelay $0x1  }
0x225: {  	[tilespmem:s31+$0xEE00] =	vst v0  }
0x226: {  	v1 =	vld [tilespmem:s0+$0xFFFFFD90]  }
0x227: {  	v2 =	vld [tilespmem:s0+$0xFFFFFD80]  }
0x228: {  	v6 =	vld [tilespmem:s0+$0xFFFFFE10]  }
0x229: {  	v0 =	vld [tilespmem:s0+$0xFFFFFDD0]  }
0x22a: {  	v7 =	vld [tilespmem:s0+$0xFFFFFE00]  }
0x22b: {  	v8 =	vld [tilespmem:s0+$0xFFFFFE20]  }
0x22c: {  	v5 =	vld [tilespmem:s0+$0xFFFFFDA0]  }
0x22d: {  	v3 =	vld [tilespmem:s0+$0xFFFFFDB0]  }
0x22e: {  	v9 =	vld [tilespmem:s0+$0xFFFFFE30]  }
0x22f: {  	v6 =	vmul.f32 v6, v1;
	v4 =	vld [tilespmem:s0+$0xFFFFFDC0];
	v7 =	vmul.f32 v7, v2  }
0x230: {  	v10 =	vld [tilespmem:s0+$0xFFFFFE40]  }
0x231: {  	v6 =	vadd.f32 v6, v7;
	v7 =	vmul.f32 v8, v5  }
0x232: {  	v8 =	vld [tilespmem:s0+$0xFFFFFE50]  }
0x233: {  	v7 =	vadd.f32 v7, v6;
	v9 =	vmul.f32 v9, v3;
	v11 =	vld [tilespmem:s0+$0xFFFFFE60]  }
0x234: {  	v6 =	vld [tilespmem:s0+$0xFFFFFDE0]  }
0x235: {  	v9 =	vadd.f32 v9, v7;
	v10 =	vmul.f32 v10, v4;
	v12 =	vld [tilespmem:s0+$0xFFFFFE70]  }
0x236: {  	v7 =	vld [tilespmem:s0+$0xFFFFFDF0]  }
0x237: {  	v9 =	vadd.f32 v10, v9;
	v8 =	vmul.f32 v8, v0;
	_ =	sdelay $0x1  }
0x238: {  	v8 =	vadd.f32 v8, v9;
	v9 =	vmul.f32 v11, v6;
	_ =	sdelay $0x1  }
0x239: {  	v8 =	vadd.f32 v9, v8;
	v9 =	vmul.f32 v12, v7;
	_ =	sdelay $0x1  }
0x23a: {  	v8 =	vadd.f32 v9, v8  }
0x23b: {  	s31 =	sshra.s32 s13, $0x2  }
0x23c: {  	[tilespmem:s31+$0xEA00] =	vst v8  }
0x23d: {  	v8 =	vld [tilespmem:s0+$0xFFFFFE80]  }
0x23e: {  	v9 =	vld [tilespmem:s0+$0xFFFFFE90];
	_ =	sdelay $0x1  }
0x23f: {  	v10 =	vld [tilespmem:s0+$0xFFFFFEA0];
	_ =	sdelay $0x1  }
0x240: {  	v11 =	vld [tilespmem:s0+$0xFFFFFEB0]  }
0x241: {  	v8 =	vmul.f32 v8, v2;
	v9 =	vmul.f32 v9, v1  }
0x242: {  	v12 =	vld [tilespmem:s0+$0xFFFFFEC0]  }
0x243: {  	v8 =	vadd.f32 v9, v8;
	v9 =	vmul.f32 v10, v5  }
0x244: {  	v10 =	vld [tilespmem:s0+$0xFFFFFED0]  }
0x245: {  	v8 =	vadd.f32 v9, v8;
	v9 =	vmul.f32 v11, v3  }
0x246: {  	v11 =	vld [tilespmem:s0+$0xFFFFFEE0]  }
0x247: {  	v8 =	vadd.f32 v9, v8;
	v9 =	vmul.f32 v12, v4  }
0x248: {  	v12 =	vld [tilespmem:s0+$0xFFFFFEF0]  }
0x249: {  	v8 =	vadd.f32 v9, v8;
	v9 =	vmul.f32 v10, v0;
	_ =	sdelay $0x1  }
0x24a: {  	v8 =	vadd.f32 v9, v8;
	v9 =	vmul.f32 v11, v6;
	_ =	sdelay $0x1  }
0x24b: {  	v8 =	vadd.f32 v9, v8;
	v9 =	vmul.f32 v12, v7;
	_ =	sdelay $0x1  }
0x24c: {  	v8 =	vadd.f32 v9, v8;
	_ =	sdelay $0x1  }
0x24d: {  	[tilespmem:s31+$0xEA80] =	vst v8  }
0x24e: {  	v8 =	vld [tilespmem:s0+$0xFFFFFF00]  }
0x24f: {  	v9 =	vld [tilespmem:s0+$0xFFFFFF10];
	_ =	sdelay $0x1  }
0x250: {  	v10 =	vld [tilespmem:s0+$0xFFFFFF20];
	_ =	sdelay $0x1  }
0x251: {  	v11 =	vld [tilespmem:s0+$0xFFFFFF30]  }
0x252: {  	v8 =	vmul.f32 v8, v2;
	v9 =	vmul.f32 v9, v1  }
0x253: {  	v12 =	vld [tilespmem:s0+$0xFFFFFF40]  }
0x254: {  	v8 =	vadd.f32 v9, v8;
	v9 =	vmul.f32 v10, v5  }
0x255: {  	v10 =	vld [tilespmem:s0+$0xFFFFFF50]  }
0x256: {  	v8 =	vadd.f32 v9, v8;
	v9 =	vmul.f32 v11, v3  }
0x257: {  	v11 =	vld [tilespmem:s0+$0xFFFFFF60]  }
0x258: {  	v8 =	vadd.f32 v9, v8;
	v9 =	vmul.f32 v12, v4  }
0x259: {  	v12 =	vld [tilespmem:s0+$0xFFFFFF70]  }
0x25a: {  	v8 =	vadd.f32 v9, v8;
	v9 =	vmul.f32 v10, v0;
	_ =	sdelay $0x1  }
0x25b: {  	v8 =	vadd.f32 v9, v8;
	v9 =	vmul.f32 v11, v6;
	_ =	sdelay $0x1  }
0x25c: {  	v8 =	vadd.f32 v9, v8;
	v9 =	vmul.f32 v12, v7;
	_ =	sdelay $0x1  }
0x25d: {  	v8 =	vadd.f32 v9, v8;
	_ =	sdelay $0x1  }
0x25e: {  	[tilespmem:s31+$0xEB00] =	vst v8  }
0x25f: {  	v8 =	vld [tilespmem:s0+$0xFFFFFF80]  }
0x260: {  	v9 =	vld [tilespmem:s0+$0xFFFFFF90]  }
0x261: {  	v10 =	vld [tilespmem:s0+$0xFFFFFFA0]  }
0x262: {  	v11 =	vld [tilespmem:s0+$0xFFFFFFB0];
	_ =	sdelay $0x1  }
0x263: {  	v8 =	vmul.f32 v8, v2  }
0x264: {  	v9 =	vmul.f32 v9, v1  }
0x265: {  	v10 =	vmul.f32 v10, v5;
	v12 =	vld [tilespmem:s0+$0xFFFFFFC0]  }
0x266: {  	v8 =	vadd.f32 v9, v8;
	v9 =	vmul.f32 v11, v3  }
0x267: {  	v11 =	vld [tilespmem:s0+$0xFFFFFFD0]  }
0x268: {  	v8 =	vadd.f32 v10, v8  }
0x269: {  	v10 =	vld [tilespmem:s0+$0xFFFFFFE0]  }
0x26a: {  	v8 =	vadd.f32 v9, v8;
	v9 =	vmul.f32 v12, v4  }
0x26b: {  	v12 =	vld [tilespmem:s0+$0xFFFFFFF0]  }
0x26c: {  	v8 =	vadd.f32 v9, v8;
	v9 =	vmul.f32 v11, v0;
	_ =	sdelay $0x1  }
0x26d: {  	v8 =	vadd.f32 v9, v8;
	v9 =	vmul.f32 v10, v6;
	_ =	sdelay $0x1  }
0x26e: {  	v8 =	vadd.f32 v9, v8;
	v9 =	vmul.f32 v12, v7;
	_ =	sdelay $0x1  }
0x26f: {  	v8 =	vadd.f32 v9, v8;
	_ =	sdelay $0x1  }
0x270: {  	[tilespmem:s31+$0xEB80] =	vst v8  }
0x271: {  	v8 =	vld [tilespmem:s0+$0x0]  }
0x272: {  	v9 =	vld [tilespmem:s0+$0x10]  }
0x273: {  	v10 =	vld [tilespmem:s0+$0x20];
	_ =	sdelay $0x2  }
0x274: {  	v11 =	vld [tilespmem:s0+$0x30]  }
0x275: {  	v8 =	vmul.f32 v8, v2;
	v9 =	vmul.f32 v9, v1  }
0x276: {  	v10 =	vmul.f32 v10, v5;
	v12 =	vld [tilespmem:s0+$0x40]  }
0x277: {  	v8 =	vadd.f32 v9, v8  }
0x278: {  	v9 =	vld [tilespmem:s0+$0x50]  }
0x279: {  	v8 =	vadd.f32 v10, v8;
	v10 =	vmul.f32 v11, v3  }
0x27a: {  	v11 =	vld [tilespmem:s0+$0x60]  }
0x27b: {  	v8 =	vadd.f32 v10, v8;
	v10 =	vmul.f32 v12, v4  }
0x27c: {  	v12 =	vld [tilespmem:s0+$0x70]  }
0x27d: {  	v8 =	vadd.f32 v10, v8;
	v9 =	vmul.f32 v9, v0;
	_ =	sdelay $0x1  }
0x27e: {  	v8 =	vadd.f32 v9, v8;
	v9 =	vmul.f32 v11, v6;
	_ =	sdelay $0x1  }
0x27f: {  	v8 =	vadd.f32 v9, v8;
	v9 =	vmul.f32 v12, v7;
	_ =	sdelay $0x1  }
0x280: {  	v8 =	vadd.f32 v9, v8;
	_ =	sdelay $0x1  }
0x281: {  	[tilespmem:s31+$0xEC00] =	vst v8  }
0x282: {  	v8 =	vld [tilespmem:s0+$0x80]  }
0x283: {  	v9 =	vld [tilespmem:s0+$0x90]  }
0x284: {  	v10 =	vld [tilespmem:s0+$0xA0]  }
0x285: {  	v11 =	vld [tilespmem:s0+$0xB0]  }
0x286: {  	v12 =	vld [tilespmem:s0+$0xC0]  }
0x287: {  	v8 =	vmul.f32 v8, v2;
	v13 =	vld [tilespmem:s0+$0xD0]  }
0x288: {  	v9 =	vmul.f32 v9, v1;
	v14 =	vld [tilespmem:s0+$0xE0]  }
0x289: {  	v10 =	vmul.f32 v10, v5;
	v15 =	vld [tilespmem:s0+$0xF0]  }
0x28a: {  	v8 =	vadd.f32 v9, v8;
	v9 =	vmul.f32 v11, v3  }
0x28b: {  	v11 =	vmul.f32 v12, v4  }
0x28c: {  	v8 =	vadd.f32 v10, v8;
	v10 =	vmul.f32 v13, v0;
	_ =	sdelay $0x1  }
0x28d: {  	v8 =	vadd.f32 v9, v8;
	_ =	sdelay $0x1  }
0x28e: {  	v8 =	vadd.f32 v11, v8;
	_ =	sdelay $0x1  }
0x28f: {  	v9 =	vmul.f32 v14, v6;
	v8 =	vadd.f32 v10, v8;
	_ =	sdelay $0x1  }
0x290: {  	v8 =	vadd.f32 v9, v8;
	v9 =	vmul.f32 v15, v7;
	_ =	sdelay $0x1  }
0x291: {  	v8 =	vadd.f32 v9, v8;
	_ =	sdelay $0x1  }
0x292: {  	[tilespmem:s31+$0xEC80] =	vst v8  }
0x293: {  	v8 =	vld [tilespmem:s0+$0x100]  }
0x294: {  	v9 =	vld [tilespmem:s0+$0x110]  }
0x295: {  	v10 =	vld [tilespmem:s0+$0x120]  }
0x296: {  	v11 =	vld [tilespmem:s0+$0x130]  }
0x297: {  	v12 =	vld [tilespmem:s0+$0x140]  }
0x298: {  	v13 =	vld [tilespmem:s0+$0x150]  }
0x299: {  	v8 =	vmul.f32 v8, v2;
	v9 =	vmul.f32 v9, v1;
	v14 =	vld [tilespmem:s0+$0x160]  }
0x29a: {  	v10 =	vmul.f32 v10, v5;
	v15 =	vld [tilespmem:s0+$0x170]  }
0x29b: {  	v8 =	vadd.f32 v9, v8;
	v9 =	vmul.f32 v11, v3  }
0x29c: {  	v11 =	vmul.f32 v12, v4  }
0x29d: {  	v8 =	vadd.f32 v10, v8;
	v10 =	vmul.f32 v13, v0;
	_ =	sdelay $0x1  }
0x29e: {  	v8 =	vadd.f32 v9, v8;
	_ =	sdelay $0x1  }
0x29f: {  	v8 =	vadd.f32 v11, v8;
	_ =	sdelay $0x1  }
0x2a0: {  	v9 =	vmul.f32 v14, v6;
	v8 =	vadd.f32 v10, v8;
	_ =	sdelay $0x1  }
0x2a1: {  	v8 =	vadd.f32 v9, v8;
	v9 =	vmul.f32 v15, v7;
	_ =	sdelay $0x1  }
0x2a2: {  	v8 =	vadd.f32 v9, v8;
	_ =	sdelay $0x1  }
0x2a3: {  	[tilespmem:s31+$0xED00] =	vst v8  }
0x2a4: {  	v8 =	vld [tilespmem:s0+$0x180]  }
0x2a5: {  	v9 =	vld [tilespmem:s0+$0x190]  }
0x2a6: {  	v10 =	vld [tilespmem:s0+$0x1A0]  }
0x2a7: {  	v11 =	vld [tilespmem:s0+$0x1B0]  }
0x2a8: {  	v12 =	vld [tilespmem:s0+$0x1C0]  }
0x2a9: {  	v8 =	vmul.f32 v8, v2;
	v13 =	vld [tilespmem:s0+$0x1D0]  }
0x2aa: {  	v9 =	vmul.f32 v9, v1;
	v14 =	vld [tilespmem:s0+$0x1E0]  }
0x2ab: {  	v10 =	vmul.f32 v10, v5;
	v15 =	vld [tilespmem:s0+$0x1F0]  }
0x2ac: {  	v8 =	vadd.f32 v9, v8;
	v9 =	vmul.f32 v11, v3  }
0x2ad: {  	v11 =	vmul.f32 v12, v4  }
0x2ae: {  	v8 =	vadd.f32 v10, v8;
	v10 =	vmul.f32 v13, v0;
	_ =	sdelay $0x1  }
0x2af: {  	v8 =	vadd.f32 v9, v8;
	_ =	sdelay $0x1  }
0x2b0: {  	v8 =	vadd.f32 v11, v8;
	_ =	sdelay $0x1  }
0x2b1: {  	v9 =	vmul.f32 v14, v6;
	v8 =	vadd.f32 v10, v8;
	_ =	sdelay $0x1  }
0x2b2: {  	v8 =	vadd.f32 v9, v8;
	v9 =	vmul.f32 v15, v7  }
.Ltmp5:
0x2b3: {  	(pc) =	sbr.rel @p1 .LBB2_8-.Ltmp5, $3  }
0x2b4: {  	v8 =	vadd.f32 v9, v8;
	_ =	sdelay $0x1  }
0x2b5: {  	[tilespmem:s31+$0xED80] =	vst v8  }
0x2b6: {  	v8 =	vld [tilespmem:s0+$0x200]  }
0x2b7: {  	v9 =	vld [tilespmem:s30+$0x210];
	_ =	sdelay $0x1  }
0x2b8: {  	v10 =	vld [tilespmem:s30+$0x220];
	_ =	sdelay $0x1  }
0x2b9: {  	v11 =	vld [tilespmem:s30+$0x230]  }
0x2ba: {  	v2 =	vmul.f32 v8, v2;
	v1 =	vmul.f32 v9, v1  }
0x2bb: {  	v58 =	vld [tilespmem:s30+$0x240]  }
0x2bc: {  	v5 =	vmul.f32 v10, v5;
	v1 =	vadd.f32 v1, v2  }
0x2bd: {  	v59 =	vld [tilespmem:s30+$0x250]  }
0x2be: {  	v3 =	vmul.f32 v11, v3;
	v1 =	vadd.f32 v5, v1  }
0x2bf: {  	v60 =	vld [tilespmem:s30+$0x260]  }
0x2c0: {  	v4 =	vmul.f32 v58, v4;
	v1 =	vadd.f32 v3, v1  }
0x2c1: {  	v61 =	vld [tilespmem:s30+$0x270]  }
0x2c2: {  	v0 =	vmul.f32 v59, v0;
	v1 =	vadd.f32 v4, v1;
	_ =	sdelay $0x1  }
0x2c3: {  	v62 =	vmul.f32 v60, v6;
	v0 =	vadd.f32 v0, v1;
	_ =	sdelay $0x1  }
0x2c4: {  	v63 =	vmul.f32 v61, v7;
	v0 =	vadd.f32 v62, v0  }
.Ltmp6:
0x2c5: {  	s0 =	sadd.s32 s5, s29;
	(pc) =	sbr.rel @p0 .LBB2_11-.Ltmp6, $3  }
0x2c6: {  	s0 =	smul.u32 $0x900, s0;
	v0 =	vadd.f32 v63, v0;
	_ =	sdelay $0x1  }
0x2c7: {  	s0 =	sadd.s32 s4, s0;
	[tilespmem:s31+$0xEE00] =	vst v0  }
0x2c8: {  	[hbm4b:s0+s3] =	stream.linear.scatter [tilespmem:s22], [sflag:$0x6], $0x4800, $0x38;
	[tilespmem:$0x13200] =	vst v63  }
0x2c9: {  	_ =	swait.ge [sflag:s25], $0x100  }
.Ltmp7:
0x2ca: {  	[sflag:s25] =	ssyncset.done $0x0;
	(pc) =	sbr.rel .LBB2_2-.Ltmp7, $4  }
0x2cb: {  	[sflag:s25] =	ssyncadd.s32 $0xFFFFFF00  }
0x2cc: {  	[tilespmem:s16], [sflag:$0x4] =	stream.indirect.gather [hbm4b:s2+s12], $0x80, s11, s12, $0xb8;
	[tilespmem:$0x13200] =	vst v63  }
0x2cd: {  	s28 =	sadd.s32 $0x1, s28  }
0x2ce: {  	[tilespmem:s18], [sflag:$0x4] =	stream.indirect.gather [hbm4b:s2+s12], $0x80, s17, s12, $0xb8;
	[tilespmem:$0x13200] =	vst v63  }
.LBB2_12:
0x2cf: {  	_ =	sfence.sel $0x180000  }
0x2d0: {  	[bflag:$0x0] =	sbarrier.arrive $0xFFFF  }
0x2d1: {  	_ =	strace $0x90000047  }
0x2d2: {  	s0 =	stileid.u32;
	[bflag:$0x2] =	sbarrier.arrive $0xFFFF  }
0x2d3: {  	p0 =	sne.s32 s0, $0x0;
	s0 =	rddreg [dreg:$0x2]  }
0x2d4: {  	s0 =	sadd.s32 @!p0 $0x100000, s0  }
0x2d5: {  	[sflag:s0] =	ssyncadd.tile.s32 @!p0 $0x1;
	_ =	shalt  }
.Lfunc_end2:
_tile_overlayer_lowered:
.L_overlay_start_2:
0x2d6: {  	(tag) =	ssettag $0x2  }
0x2d7: {  	s0 =	rddreg [dreg:$0x0];
	s2 =	stileid.u32  }
0x2d8: {  	s1 =	rddreg [dreg:$0x1];
	p0 =	sne.s32 s2, $0x0  }
0x2d9: {  	s3 =	rddreg [dreg:$0x2];
	[bflag:$0x3] =	sbarrier.arrive $0xFFFF;
	s2 =	simm.s32 @!p0 $0x1C07  }
0x2da: {  	[timem:s3], [sflag:s2] =	dma.local @!p0 [hbm:s0], s1  }
0x2db: {  	s0 =	simm.s32 @!p0 $0x7  }
0x2dc: {  	_ =	swait.ge @!p0 [sflag:s0], s1  }
0x2dd: {  	s1 =	ssub.s32 @!p0 $0x0, s1;
	[sflag:s0] =	ssyncset.done @!p0 $0x0  }
0x2de: {  	[sflag:s0] =	ssyncadd.s32 @!p0 s1  }
0x2df: {  	[bflag:$0x3] =	sbarrier.arrive $0xFFFF  }
0x2e0: {  	_ =	shalt  }

</sc_bundles>
